<compile_context>
chip_gen: v7x
topology: tpu7x:2x2x1
jax: 0.10.2.dev20260603
libtpu: 0.0.44.dev20260713+nightly
codegen_flags: <defaults>
</compile_context>

<pallas_src>
import dataclasses

import jax
import jax.numpy as jnp
from jax import lax
from jax.experimental import pallas as pl
from jax.experimental.pallas import tpu as pltpu
from jax.experimental.pallas import tpu_sc as plsc

_FEAT_STRIDE = 16.0
_SCORE_THRESH = 0.7
_MAX_OUT = 50
_OUT_PAD = 64
_L = 16


def _splat_gather(vec, idx_splat):
    return lax.gather(
        vec, idx_splat[:, None],
        lax.GatherDimensionNumbers(offset_dims=(), collapsed_slice_dims=(0,),
                                   start_index_map=(0,)),
        (1,), mode=lax.GatherScatterMode.PROMISE_IN_BOUNDS)


def _nms_body(scores_hbm, d01_hbm, wm1_hbm,
              opq_hbm, os_hbm,
              key_v, cent_v, p0_v, p1_v, wm1_v, m_v, opq_v, os_v, sem):
    batch = scores_hbm.shape[0]
    fw = scores_hbm.shape[1]
    nsl = fw // _L
    nsl1 = nsl // _L
    row = lax.axis_index("s") + 16 * lax.axis_index("c")

    @pl.when(row < batch)
    def _():
        cw = pltpu.make_async_copy(wm1_hbm, wm1_v, sem)
        c0 = pltpu.make_async_copy(scores_hbm.at[row], key_v, sem)
        c1 = pltpu.make_async_copy(d01_hbm.at[0].at[row], p0_v, sem)
        c2 = pltpu.make_async_copy(d01_hbm.at[1].at[row], p1_v, sem)
        cw.start()
        c0.start()
        c1.start()
        c2.start()
        cw.wait()
        c0.wait()
        c1.wait()
        c2.wait()
        wm1 = wm1_v[...]
        ninf = jnp.full((_L,), -jnp.inf, jnp.float32)
        pinf = jnp.full((_L,), jnp.inf, jnp.float32)
        va0 = jnp.full((_L,), -1.0, jnp.float32)
        vi0 = jnp.zeros((_L,), jnp.int32)
        lanes = lax.iota(jnp.int32, _L)

        def half_slice(j, cnt, cmx, cmn, offv):
            sl = pl.ds(j * _L, _L)
            s = key_v[sl]
            t0 = p0_v[sl] * _FEAT_STRIDE
            t1 = p1_v[sl] * _FEAT_STRIDE
            idx = lanes + j * _L
            center = (idx.astype(jnp.float32) + 0.5) * _FEAT_STRIDE
            q0 = t0 + center
            q1 = t1 + center
            q0 = jnp.where(q0 < 0.0, 0.0, q0)
            q0 = jnp.where(q0 > wm1, wm1, q0)
            q1 = jnp.where(q1 < 0.0, 0.0, q1)
            q1 = jnp.where(q1 > wm1, wm1, q1)
            cn = (q0 + q1) * 0.5
            s = 1.0 / (1.0 + jnp.exp(-s))
            valid = s >= _SCORE_THRESH
            k = jnp.where(valid, s, -1.0)
            key_v[sl] = k
            p0_v[sl] = q0
            p1_v[sl] = q1
            cent_v[sl] = cn
            cnt = cnt + jnp.where(valid, 1, 0)
            cmx = jnp.maximum(cmx, jnp.where(valid, cn, ninf))
            cmn = jnp.minimum(cmn, jnp.where(valid, cn, pinf))
            off = jnp.maximum(jnp.abs(t0), jnp.abs(t1))
            offv = jnp.maximum(offv, jnp.where(valid, off, 0.0))
            return jnp.max(k), cnt, cmx, cmn, offv

        def prolog(h, c):
            cnt, cmx, cmn, offv = c
            j0 = 2 * h
            sm0, cnt, cmx, cmn, offv = half_slice(j0, cnt, cmx, cmn, offv)
            sm1, cnt, cmx, cmn, offv = half_slice(j0 + 1, cnt, cmx, cmn, offv)
            mb = (j0 // _L) * _L
            msl = pl.ds(mb, _L)
            cur = m_v[msl]
            cur = jnp.where(lanes == j0 - mb, sm0, cur)
            m_v[msl] = jnp.where(lanes == j0 + 1 - mb, sm1, cur)
            return (cnt, cmx, cmn, offv)

        cnt, cmx, cmn, offv = lax.fori_loop(
            0, nsl // 2, prolog,
            (jnp.zeros((_L,), jnp.int32), ninf, pinf,
             jnp.zeros((_L,), jnp.float32)))

        n_s = jnp.sum(cnt)
        cmax_s = jnp.max(cmx)
        cmin_s = jnp.min(cmn)
        denom_v = jnp.full((_L,), jnp.maximum(n_s - 1, 1)).astype(jnp.float32)
        diff_v = jnp.full((_L,), cmax_s) - jnp.full((_L,), cmin_s)
        dth_v = jnp.where(n_s > 1, (0.55 * diff_v) / denom_v, 0.0)
        pd_v = jnp.full((_L,), jnp.max(offv))

        inv256 = jnp.float32(1.0 / 256.0)
        wrad_v = dth_v + pd_v + 8.5

        zv = jnp.zeros((_L,), jnp.float32)
        for k4 in range(2 * _OUT_PAD // _L):
            opq_v[pl.ds(k4 * _L, _L)] = zv
        for k4 in range(_OUT_PAD // _L):
            os_v[pl.ds(k4 * _L, _L)] = zv

        def make_supp(c_sel_v):
            def supp(s, z):
                sl2 = pl.ds(s * _L, _L)
                k2 = key_v[sl2]
                kill = jnp.abs(cent_v[sl2] - c_sel_v) <= dth_v
                k2 = jnp.where(kill, -1.0, k2)
                key_v[sl2] = k2
                sm2 = jnp.max(k2)
                mb2 = (s // _L) * _L
                msl2 = pl.ds(mb2, _L)
                m_v[msl2] = jnp.where(lanes == s - mb2, sm2, m_v[msl2])
                return z
            return supp

        def nms_iter(t, carry):
            va, vi = va0, vi0
            for a in range(nsl1):
                k1 = m_v[pl.ds(a * _L, _L)]
                gt = k1 > va
                va = jnp.where(gt, k1, va)
                vi = jnp.where(gt, a, vi)
            smax_i = jnp.max(plsc.bitcast(va, jnp.int32))

            @pl.when(smax_i >= 0)
            def _():
                smax_v = plsc.bitcast(jnp.full((_L,), smax_i), jnp.float32)
                m1 = va == smax_v
                s_star = jnp.min(jnp.where(m1, vi * _L + lanes, nsl))
                bsl = pl.ds(s_star * _L, _L)
                ksl = key_v[bsl]
                lmin = plsc.all_reduce_ffs(ksl == smax_v)
                c_sel_v = _splat_gather(cent_v[bsl], lmin)
                p0_sel = _splat_gather(p0_v[bsl], lmin)
                p1_sel = _splat_gather(p1_v[bsl], lmin)
                sc_sel = _splat_gather(ksl, lmin)

                t2 = 2 * t
                ob2 = (t2 // _L) * _L
                osl2 = pl.ds(ob2, _L)
                cur2 = jnp.where(lanes == t2 - ob2, p0_sel, opq_v[osl2])
                opq_v[osl2] = jnp.where(lanes == t2 + 1 - ob2, p1_sel, cur2)
                ob = (t // _L) * _L
                osl = pl.ds(ob, _L)
                os_v[osl] = jnp.where(lanes == t - ob, sc_sel, os_v[osl])

                lo_v = ((c_sel_v - wrad_v) * inv256 - 0.5).astype(jnp.int32)
                hi_v = ((c_sel_v + wrad_v) * inv256).astype(jnp.int32)
                slo = jnp.maximum(lo_v[0], 0)
                shi = jnp.minimum(hi_v[0], nsl - 1)
                lax.fori_loop(slo, shi + 1, make_supp(c_sel_v), 0)

            return carry

        lax.fori_loop(0, _MAX_OUT, nms_iter, 0)

        co = pltpu.make_async_copy(opq_v, opq_hbm.at[row], sem)
        cs = pltpu.make_async_copy(os_v, os_hbm.at[row], sem)
        co.start()
        cs.start()
        co.wait()
        cs.wait()


def kernel(pred_cls_logit, pred_delta, img_width):
    batch, fw = pred_cls_logit.shape
    d01 = jnp.moveaxis(pred_delta, 2, 0)
    w = jnp.asarray(img_width, jnp.float32)
    wm1 = jnp.full((_L,), 1.0, jnp.float32) * (w - 1.0)

    mesh = plsc.VectorSubcoreMesh(core_axis_name="c", subcore_axis_name="s",
                                  num_cores=1)
    cp = pltpu.CompilerParams()
    if "needs_layout_passes" in pltpu.CompilerParams.__dataclass_fields__:
        cp = dataclasses.replace(cp, needs_layout_passes=False)
    run = pl.kernel(
        _nms_body,
        out_type=(jax.ShapeDtypeStruct((batch, 2 * _OUT_PAD), jnp.float32),
                  jax.ShapeDtypeStruct((batch, _OUT_PAD), jnp.float32)),
        mesh=mesh,
        compiler_params=cp,
        scratch_types=[
            pltpu.VMEM((fw,), jnp.float32),
            pltpu.VMEM((fw,), jnp.float32),
            pltpu.VMEM((fw,), jnp.float32),
            pltpu.VMEM((fw,), jnp.float32),
            pltpu.VMEM((_L,), jnp.float32),
            pltpu.VMEM((fw // _L,), jnp.float32),
            pltpu.VMEM((2 * _OUT_PAD,), jnp.float32),
            pltpu.VMEM((_OUT_PAD,), jnp.float32),
            pltpu.SemaphoreType.DMA,
        ],
    )
    opq, osc = run(pred_cls_logit, d01, wm1)
    out_pos = opq.reshape(batch, _OUT_PAD, 2)[:, :_MAX_OUT, :]
    return (out_pos, osc[:, :_MAX_OUT, None])

# --- scband reference (transcript-rebuilt; emitter-appended) ---
"""Pipeline reference for scband-extract-split-position-13005160972620 (READ-ONLY COPY).

The authoritative reference and input builder live on the scoring server;
editing this copy changes nothing except your own understanding.
"""

import jax, jax.numpy as jnp
import numpy as np

FEAT_STRIDE = 16
SCORE_THRESH = 0.7
MAX_OUTPUTS = 50
BATCH = 8
IMG_WIDTH = 32768


def setup_inputs(seed: int = 0) -> dict:
    key = jax.random.key(seed)
    k1, k2 = jax.random.split(key)
    fw = IMG_WIDTH // FEAT_STRIDE
    return {
        "pred_cls_logit": jax.random.normal(k1, (BATCH, fw), dtype=jnp.float32),
        "pred_delta": jax.random.normal(k2, (BATCH, fw, 2), dtype=jnp.float32),
        "img_width": IMG_WIDTH,
    }


def _nms_keep(positions, scores):
    # Faithful greedy NMS from the TF module, on concrete numpy values.
    keep = np.where(scores >= SCORE_THRESH)[0]
    if keep.size == 0:
        return []
    sc = scores[keep]
    cent = positions[keep].mean(axis=1)
    if keep.size > 1:
        dthresh = 0.55 * (cent.max() - cent.min()) / (keep.size - 1.0)
    else:
        dthresh = 0.0
    order = np.argsort(sc)[::-1]
    rem_idx = keep[order]
    rem_cent = cent[order]
    kept = []
    while rem_idx.size > 0:
        kept.append(int(rem_idx[0]))
        m = np.abs(rem_cent[1:] - rem_cent[0]) > dthresh
        rem_idx = rem_idx[1:][m]
        rem_cent = rem_cent[1:][m]
    return kept


def reference(pred_cls_logit, pred_delta, img_width):
    feat_width = pred_cls_logit.shape[1]
    centers = (jnp.arange(feat_width, dtype=jnp.float32) + 0.5) * FEAT_STRIDE
    interval_center = jnp.tile(centers[:, None], (1, 2))[None, ...]
    pos = pred_delta * FEAT_STRIDE + interval_center
    scores = jax.nn.sigmoid(pred_cls_logit)
    w = jnp.asarray(img_width, dtype=jnp.float32)
    pos = jnp.where(pos < 0.0, 0.0, pos)
    pos = jnp.where(pos > w - 1.0, w - 1.0, pos)

    def _row_nms(p, sc):
        N = sc.shape[0]
        valid = sc >= SCORE_THRESH
        n = jnp.sum(valid)
        cent = p.mean(axis=1)
        cmax = jnp.max(jnp.where(valid, cent, -jnp.inf))
        cmin = jnp.min(jnp.where(valid, cent, jnp.inf))
        denom = jnp.maximum(n - 1, 1).astype(jnp.float32)
        dthresh = jnp.where(n > 1, 0.55 * (cmax - cmin) / denom, 0.0)
        order = jnp.argsort(-sc)
        s_pos = p[order]
        s_sc = sc[order]
        s_cent = cent[order]
        s_valid = valid[order]
        idxs = jnp.arange(N)

        def body(i, state):
            suppressed, kept = state
            is_kept = s_valid[i] & jnp.logical_not(suppressed[i])
            kept = kept.at[i].set(is_kept)
            close = (idxs > i) & (jnp.abs(s_cent - s_cent[i]) <= dthresh)
            suppressed = jnp.where(is_kept, suppressed | close, suppressed)
            return suppressed, kept

        _, kept = jax.lax.fori_loop(
            0, N, body,
            (jnp.zeros((N,), dtype=bool), jnp.zeros((N,), dtype=bool)),
        )
        rank = jnp.cumsum(kept) - 1
        dest = jnp.where(kept, rank, MAX_OUTPUTS)
        out_p = jnp.zeros((MAX_OUTPUTS, 2), jnp.float32).at[dest].set(
            s_pos, mode="drop"
        )
        out_s = jnp.zeros((MAX_OUTPUTS,), jnp.float32).at[dest].set(
            s_sc, mode="drop"
        )
        return out_p, out_s

    out_pos, out_sc = jax.vmap(_row_nms)(pos, scores)
    return (out_pos, out_sc[..., None])

if __name__ == "__main__":
    import jax
    _d = setup_inputs()
    print(jax.jit(kernel)(*tuple(_d.values())))

</pallas_src>

<mosaic_0001>
#map = affine_map<(d0, d1) -> (0, 0)>
#map1 = affine_map<(d0, d1) -> (0, 0, 0)>
#map2 = affine_map<(d0, d1) -> (0)>
module attributes {stable_mosaic.version = 14 : i64} {
  func.func @_nms_body(%arg0: i32, %arg1: i32, %arg2: memref<8x2048xf32, #tpu.memory_space<hbm>>, %arg3: memref<2x8x2048xf32, #tpu.memory_space<hbm>>, %arg4: memref<16xf32, #tpu.memory_space<hbm>>, %arg5: memref<8x128xf32, #tpu.memory_space<hbm>>, %arg6: memref<8x64xf32, #tpu.memory_space<hbm>>, %arg7: memref<2048xf32, #tpu.memory_space<vmem>>, %arg8: memref<2048xf32, #tpu.memory_space<vmem>>, %arg9: memref<2048xf32, #tpu.memory_space<vmem>>, %arg10: memref<2048xf32, #tpu.memory_space<vmem>>, %arg11: memref<16xf32, #tpu.memory_space<vmem>>, %arg12: memref<128xf32, #tpu.memory_space<vmem>>, %arg13: memref<128xf32, #tpu.memory_space<vmem>>, %arg14: memref<64xf32, #tpu.memory_space<vmem>>, %arg15: memref<!tpu.dma_semaphore, #tpu.memory_space<semaphore_mem>>) attributes {dimension_semantics = [#tpu.dimension_semantics<core_parallel>, #tpu.dimension_semantics<subcore_parallel>], iteration_bounds = array<i64: 1, 16>, scalar_prefetch = 0 : i64, scratch_operands = 9 : i64, tpu.core_type = #tpu.core_type<sc_vector_subcore>, window_params = [{transform_indices = #map}, {transform_indices = #map1}, {transform_indices = #map2}, {transform_indices = #map}, {transform_indices = #map}]} {
    %mul3A = arith.constant 16 : i32
    %mul3A_0 = arith.muli %mul3A, %arg0 : i32
    %add3A = arith.addi %arg1, %mul3A_0 : i32
    %lt3A = arith.constant 8 : i32
    %lt3A_1 = arith.cmpi slt, %add3A, %lt3A : i32
    %convert_element_type3A = arith.extui %lt3A_1 : i1 to i32
    %cond3A = arith.constant 0 : i32
    %cond3A_2 = arith.cmpi ne, %convert_element_type3A, %cond3A : i32
    scf.if %cond3A_2 {
      tpu.enqueue_dma source(%arg4 : memref<16xf32, #tpu.memory_space<hbm>>) target(%arg11 : memref<16xf32, #tpu.memory_space<vmem>>) target_semaphore(%arg15 : memref<!tpu.dma_semaphore, #tpu.memory_space<semaphore_mem>>)
      %dma_start3A = arith.constant 0 : i32
      %dma_start3A_3 = tpu.memref_slice %arg2[%add3A, %dma_start3A] : memref<8x2048xf32, #tpu.memory_space<hbm>> -> memref<1x2048xf32, #tpu.memory_space<hbm>>
      %dma_start3A_4 = tpu.memref_squeeze %dma_start3A_3 : memref<1x2048xf32, #tpu.memory_space<hbm>> -> memref<2048xf32, #tpu.memory_space<hbm>>
      %dma_start3A_5 = arith.constant 0 : i32
      %dma_start3A_6 = tpu.memref_slice %arg2[%add3A, %dma_start3A_5] : memref<8x2048xf32, #tpu.memory_space<hbm>> -> memref<1x2048xf32, #tpu.memory_space<hbm>>
      %dma_start3A_7 = tpu.memref_squeeze %dma_start3A_6 : memref<1x2048xf32, #tpu.memory_space<hbm>> -> memref<2048xf32, #tpu.memory_space<hbm>>
      tpu.enqueue_dma source(%dma_start3A_7 : memref<2048xf32, #tpu.memory_space<hbm>>) target(%arg7 : memref<2048xf32, #tpu.memory_space<vmem>>) target_semaphore(%arg15 : memref<!tpu.dma_semaphore, #tpu.memory_space<semaphore_mem>>)
      %dma_start3A_8 = arith.constant 0 : i32
      %dma_start3A_9 = arith.constant 0 : i32
      %dma_start3A_10 = arith.constant 0 : i32
      %dma_start3A_11 = tpu.memref_slice %arg3[%dma_start3A_8, %dma_start3A_9, %dma_start3A_10] : memref<2x8x2048xf32, #tpu.memory_space<hbm>> -> memref<1x8x2048xf32, #tpu.memory_space<hbm>>
      %dma_start3A_12 = tpu.memref_squeeze %dma_start3A_11 : memref<1x8x2048xf32, #tpu.memory_space<hbm>> -> memref<8x2048xf32, #tpu.memory_space<hbm>>
      %dma_start3A_13 = arith.constant 0 : i32
      %dma_start3A_14 = tpu.memref_slice %dma_start3A_12[%add3A, %dma_start3A_13] : memref<8x2048xf32, #tpu.memory_space<hbm>> -> memref<1x2048xf32, #tpu.memory_space<hbm>>
      %dma_start3A_15 = tpu.memref_squeeze %dma_start3A_14 : memref<1x2048xf32, #tpu.memory_space<hbm>> -> memref<2048xf32, #tpu.memory_space<hbm>>
      %dma_start3A_16 = arith.constant 0 : i32
      %dma_start3A_17 = arith.constant 0 : i32
      %dma_start3A_18 = tpu.memref_slice %arg3[%dma_start3A_8, %dma_start3A_16, %dma_start3A_17] : memref<2x8x2048xf32, #tpu.memory_space<hbm>> -> memref<1x8x2048xf32, #tpu.memory_space<hbm>>
      %dma_start3A_19 = tpu.memref_squeeze %dma_start3A_18 : memref<1x8x2048xf32, #tpu.memory_space<hbm>> -> memref<8x2048xf32, #tpu.memory_space<hbm>>
      %dma_start3A_20 = arith.constant 0 : i32
      %dma_start3A_21 = tpu.memref_slice %dma_start3A_19[%add3A, %dma_start3A_20] : memref<8x2048xf32, #tpu.memory_space<hbm>> -> memref<1x2048xf32, #tpu.memory_space<hbm>>
      %dma_start3A_22 = tpu.memref_squeeze %dma_start3A_21 : memref<1x2048xf32, #tpu.memory_space<hbm>> -> memref<2048xf32, #tpu.memory_space<hbm>>
      tpu.enqueue_dma source(%dma_start3A_22 : memref<2048xf32, #tpu.memory_space<hbm>>) target(%arg9 : memref<2048xf32, #tpu.memory_space<vmem>>) target_semaphore(%arg15 : memref<!tpu.dma_semaphore, #tpu.memory_space<semaphore_mem>>)
      %dma_start3A_23 = arith.constant 1 : i32
      %dma_start3A_24 = arith.constant 0 : i32
      %dma_start3A_25 = arith.constant 0 : i32
      %dma_start3A_26 = tpu.memref_slice %arg3[%dma_start3A_23, %dma_start3A_24, %dma_start3A_25] : memref<2x8x2048xf32, #tpu.memory_space<hbm>> -> memref<1x8x2048xf32, #tpu.memory_space<hbm>>
      %dma_start3A_27 = tpu.memref_squeeze %dma_start3A_26 : memref<1x8x2048xf32, #tpu.memory_space<hbm>> -> memref<8x2048xf32, #tpu.memory_space<hbm>>
      %dma_start3A_28 = arith.constant 0 : i32
      %dma_start3A_29 = tpu.memref_slice %dma_start3A_27[%add3A, %dma_start3A_28] : memref<8x2048xf32, #tpu.memory_space<hbm>> -> memref<1x2048xf32, #tpu.memory_space<hbm>>
      %dma_start3A_30 = tpu.memref_squeeze %dma_start3A_29 : memref<1x2048xf32, #tpu.memory_space<hbm>> -> memref<2048xf32, #tpu.memory_space<hbm>>
      %dma_start3A_31 = arith.constant 0 : i32
      %dma_start3A_32 = arith.constant 0 : i32
      %dma_start3A_33 = tpu.memref_slice %arg3[%dma_start3A_23, %dma_start3A_31, %dma_start3A_32] : memref<2x8x2048xf32, #tpu.memory_space<hbm>> -> memref<1x8x2048xf32, #tpu.memory_space<hbm>>
      %dma_start3A_34 = tpu.memref_squeeze %dma_start3A_33 : memref<1x8x2048xf32, #tpu.memory_space<hbm>> -> memref<8x2048xf32, #tpu.memory_space<hbm>>
      %dma_start3A_35 = arith.constant 0 : i32
      %dma_start3A_36 = tpu.memref_slice %dma_start3A_34[%add3A, %dma_start3A_35] : memref<8x2048xf32, #tpu.memory_space<hbm>> -> memref<1x2048xf32, #tpu.memory_space<hbm>>
      %dma_start3A_37 = tpu.memref_squeeze %dma_start3A_36 : memref<1x2048xf32, #tpu.memory_space<hbm>> -> memref<2048xf32, #tpu.memory_space<hbm>>
      tpu.enqueue_dma source(%dma_start3A_37 : memref<2048xf32, #tpu.memory_space<hbm>>) target(%arg10 : memref<2048xf32, #tpu.memory_space<vmem>>) target_semaphore(%arg15 : memref<!tpu.dma_semaphore, #tpu.memory_space<semaphore_mem>>)
      tpu.wait_dma2 semaphore(%arg15 : memref<!tpu.dma_semaphore, #tpu.memory_space<semaphore_mem>>) src(%arg4 : memref<16xf32, #tpu.memory_space<hbm>>) dst(%arg11 : memref<16xf32, #tpu.memory_space<vmem>>)
      %dma_wait3A = arith.constant 0 : i32
      %dma_wait3A_38 = tpu.memref_slice %arg2[%add3A, %dma_wait3A] : memref<8x2048xf32, #tpu.memory_space<hbm>> -> memref<1x2048xf32, #tpu.memory_space<hbm>>
      %dma_wait3A_39 = tpu.memref_squeeze %dma_wait3A_38 : memref<1x2048xf32, #tpu.memory_space<hbm>> -> memref<2048xf32, #tpu.memory_space<hbm>>
      %dma_wait3A_40 = arith.constant 0 : i32
      %dma_wait3A_41 = tpu.memref_slice %arg2[%add3A, %dma_wait3A_40] : memref<8x2048xf32, #tpu.memory_space<hbm>> -> memref<1x2048xf32, #tpu.memory_space<hbm>>
      %dma_wait3A_42 = tpu.memref_squeeze %dma_wait3A_41 : memref<1x2048xf32, #tpu.memory_space<hbm>> -> memref<2048xf32, #tpu.memory_space<hbm>>
      tpu.wait_dma2 semaphore(%arg15 : memref<!tpu.dma_semaphore, #tpu.memory_space<semaphore_mem>>) src(%dma_wait3A_42 : memref<2048xf32, #tpu.memory_space<hbm>>) dst(%arg7 : memref<2048xf32, #tpu.memory_space<vmem>>)
      %dma_wait3A_43 = arith.constant 0 : i32
      %dma_wait3A_44 = arith.constant 0 : i32
      %dma_wait3A_45 = arith.constant 0 : i32
      %dma_wait3A_46 = tpu.memref_slice %arg3[%dma_wait3A_43, %dma_wait3A_44, %dma_wait3A_45] : memref<2x8x2048xf32, #tpu.memory_space<hbm>> -> memref<1x8x2048xf32, #tpu.memory_space<hbm>>
      %dma_wait3A_47 = tpu.memref_squeeze %dma_wait3A_46 : memref<1x8x2048xf32, #tpu.memory_space<hbm>> -> memref<8x2048xf32, #tpu.memory_space<hbm>>
      %dma_wait3A_48 = arith.constant 0 : i32
      %dma_wait3A_49 = tpu.memref_slice %dma_wait3A_47[%add3A, %dma_wait3A_48] : memref<8x2048xf32, #tpu.memory_space<hbm>> -> memref<1x2048xf32, #tpu.memory_space<hbm>>
      %dma_wait3A_50 = tpu.memref_squeeze %dma_wait3A_49 : memref<1x2048xf32, #tpu.memory_space<hbm>> -> memref<2048xf32, #tpu.memory_space<hbm>>
      %dma_wait3A_51 = arith.constant 0 : i32
      %dma_wait3A_52 = arith.constant 0 : i32
      %dma_wait3A_53 = tpu.memref_slice %arg3[%dma_wait3A_43, %dma_wait3A_51, %dma_wait3A_52] : memref<2x8x2048xf32, #tpu.memory_space<hbm>> -> memref<1x8x2048xf32, #tpu.memory_space<hbm>>
      %dma_wait3A_54 = tpu.memref_squeeze %dma_wait3A_53 : memref<1x8x2048xf32, #tpu.memory_space<hbm>> -> memref<8x2048xf32, #tpu.memory_space<hbm>>
      %dma_wait3A_55 = arith.constant 0 : i32
      %dma_wait3A_56 = tpu.memref_slice %dma_wait3A_54[%add3A, %dma_wait3A_55] : memref<8x2048xf32, #tpu.memory_space<hbm>> -> memref<1x2048xf32, #tpu.memory_space<hbm>>
      %dma_wait3A_57 = tpu.memref_squeeze %dma_wait3A_56 : memref<1x2048xf32, #tpu.memory_space<hbm>> -> memref<2048xf32, #tpu.memory_space<hbm>>
      tpu.wait_dma2 semaphore(%arg15 : memref<!tpu.dma_semaphore, #tpu.memory_space<semaphore_mem>>) src(%dma_wait3A_57 : memref<2048xf32, #tpu.memory_space<hbm>>) dst(%arg9 : memref<2048xf32, #tpu.memory_space<vmem>>)
      %dma_wait3A_58 = arith.constant 1 : i32
      %dma_wait3A_59 = arith.constant 0 : i32
      %dma_wait3A_60 = arith.constant 0 : i32
      %dma_wait3A_61 = tpu.memref_slice %arg3[%dma_wait3A_58, %dma_wait3A_59, %dma_wait3A_60] : memref<2x8x2048xf32, #tpu.memory_space<hbm>> -> memref<1x8x2048xf32, #tpu.memory_space<hbm>>
      %dma_wait3A_62 = tpu.memref_squeeze %dma_wait3A_61 : memref<1x8x2048xf32, #tpu.memory_space<hbm>> -> memref<8x2048xf32, #tpu.memory_space<hbm>>
      %dma_wait3A_63 = arith.constant 0 : i32
      %dma_wait3A_64 = tpu.memref_slice %dma_wait3A_62[%add3A, %dma_wait3A_63] : memref<8x2048xf32, #tpu.memory_space<hbm>> -> memref<1x2048xf32, #tpu.memory_space<hbm>>
      %dma_wait3A_65 = tpu.memref_squeeze %dma_wait3A_64 : memref<1x2048xf32, #tpu.memory_space<hbm>> -> memref<2048xf32, #tpu.memory_space<hbm>>
      %dma_wait3A_66 = arith.constant 0 : i32
      %dma_wait3A_67 = arith.constant 0 : i32
      %dma_wait3A_68 = tpu.memref_slice %arg3[%dma_wait3A_58, %dma_wait3A_66, %dma_wait3A_67] : memref<2x8x2048xf32, #tpu.memory_space<hbm>> -> memref<1x8x2048xf32, #tpu.memory_space<hbm>>
      %dma_wait3A_69 = tpu.memref_squeeze %dma_wait3A_68 : memref<1x8x2048xf32, #tpu.memory_space<hbm>> -> memref<8x2048xf32, #tpu.memory_space<hbm>>
      %dma_wait3A_70 = arith.constant 0 : i32
      %dma_wait3A_71 = tpu.memref_slice %dma_wait3A_69[%add3A, %dma_wait3A_70] : memref<8x2048xf32, #tpu.memory_space<hbm>> -> memref<1x2048xf32, #tpu.memory_space<hbm>>
      %dma_wait3A_72 = tpu.memref_squeeze %dma_wait3A_71 : memref<1x2048xf32, #tpu.memory_space<hbm>> -> memref<2048xf32, #tpu.memory_space<hbm>>
      tpu.wait_dma2 semaphore(%arg15 : memref<!tpu.dma_semaphore, #tpu.memory_space<semaphore_mem>>) src(%dma_wait3A_72 : memref<2048xf32, #tpu.memory_space<hbm>>) dst(%arg10 : memref<2048xf32, #tpu.memory_space<vmem>>)
      %get3A = arith.constant 0 : index
      %get3A_73 = tpu.vector_load %arg11[%get3A] {strides = array<i32>} : memref<16xf32, #tpu.memory_space<vmem>>, vector<16xf32>,
      %broadcast_in_dim3A = arith.constant 0xFF800000 : f32
      %broadcast_in_dim3A_74 = vector.broadcast %broadcast_in_dim3A : f32 to vector<16xf32>
      %broadcast_in_dim3A_75 = arith.constant 0x7F800000 : f32
      %broadcast_in_dim3A_76 = vector.broadcast %broadcast_in_dim3A_75 : f32 to vector<16xf32>
      %broadcast_in_dim3A_77 = arith.constant -1.000000e+00 : f32
      %broadcast_in_dim3A_78 = vector.broadcast %broadcast_in_dim3A_77 : f32 to vector<16xf32>
      %broadcast_in_dim3A_79 = arith.constant 0 : i32
      %broadcast_in_dim3A_80 = vector.broadcast %broadcast_in_dim3A_79 : i32 to vector<16xi32>
      %iota3A = tpu.iota {dimensions = array<i32: 0>} : vector<16xi32>
      %broadcast_in_dim3A_81 = arith.constant 0 : i32
      %broadcast_in_dim3A_82 = vector.broadcast %broadcast_in_dim3A_81 : i32 to vector<16xi32>
      %broadcast_in_dim3A_83 = arith.constant 0.000000e+00 : f32
      %broadcast_in_dim3A_84 = vector.broadcast %broadcast_in_dim3A_83 : f32 to vector<16xf32>
      %scan3A = arith.constant 0 : i32
      %scan3A_85 = arith.constant 64 : i32
      %scan3A_86 = arith.addi %scan3A, %scan3A_85 : i32
      %scan3A_87 = arith.constant 1 : i32
      %scan3A_88:4 = scf.for %scan3A_176 = %scan3A to %scan3A_86 step %scan3A_87 iter_args(%scan3A_177 = %broadcast_in_dim3A_82, %scan3A_178 = %broadcast_in_dim3A_74, %scan3A_179 = %broadcast_in_dim3A_76, %scan3A_180 = %broadcast_in_dim3A_84) -> (vector<16xi32>, vector<16xf32>, vector<16xf32>, vector<16xf32>)  : i32 {
        %mul3A_181 = arith.constant 2 : i32
        %mul3A_182 = arith.muli %mul3A_181, %scan3A_176 : i32
        %mul3A_183 = arith.constant 16 : i32
        %mul3A_184 = arith.muli %mul3A_182, %mul3A_183 : i32
        %get3A_185 = arith.index_cast %mul3A_184 : i32 to index
        %get3A_186 = tpu.vector_load %arg7[%get3A_185] {strides = array<i32>} : memref<2048xf32, #tpu.memory_space<vmem>>, vector<16xf32>,
        %get3A_187 = arith.index_cast %mul3A_184 : i32 to index
        %get3A_188 = tpu.vector_load %arg9[%get3A_187] {strides = array<i32>} : memref<2048xf32, #tpu.memory_space<vmem>>, vector<16xf32>,
        %mul3A_189 = arith.constant 1.600000e+01 : f32
        %mul3A_190 = vector.broadcast %mul3A_189 : f32 to vector<16xf32>
        %mul3A_191 = arith.mulf %get3A_188, %mul3A_190 : vector<16xf32>
        %get3A_192 = arith.index_cast %mul3A_184 : i32 to index
        %get3A_193 = tpu.vector_load %arg10[%get3A_192] {strides = array<i32>} : memref<2048xf32, #tpu.memory_space<vmem>>, vector<16xf32>,
        %mul3A_194 = arith.constant 1.600000e+01 : f32
        %mul3A_195 = vector.broadcast %mul3A_194 : f32 to vector<16xf32>
        %mul3A_196 = arith.mulf %get3A_193, %mul3A_195 : vector<16xf32>
        %mul3A_197 = arith.constant 16 : i32
        %mul3A_198 = arith.muli %mul3A_182, %mul3A_197 : i32
        %add3A_199 = vector.broadcast %mul3A_198 : i32 to vector<16xi32>
        %add3A_200 = arith.addi %iota3A, %add3A_199 : vector<16xi32>
        %convert_element_type3A_201 = arith.sitofp %add3A_200 : vector<16xi32> to vector<16xf32>
        %add3A_202 = arith.constant 5.000000e-01 : f32
        %add3A_203 = vector.broadcast %add3A_202 : f32 to vector<16xf32>
        %add3A_204 = arith.addf %convert_element_type3A_201, %add3A_203 : vector<16xf32>
        %mul3A_205 = arith.constant 1.600000e+01 : f32
        %mul3A_206 = vector.broadcast %mul3A_205 : f32 to vector<16xf32>
        %mul3A_207 = arith.mulf %add3A_204, %mul3A_206 : vector<16xf32>
        %add3A_208 = arith.addf %mul3A_191, %mul3A_207 : vector<16xf32>
        %add3A_209 = arith.addf %mul3A_196, %mul3A_207 : vector<16xf32>
        %lt3A_210 = arith.constant 0.000000e+00 : f32
        %lt3A_211 = vector.broadcast %lt3A_210 : f32 to vector<16xf32>
        %lt3A_212 = arith.cmpf olt, %add3A_208, %lt3A_211 : vector<16xf32>
        %jit3A_213 = arith.constant 0.000000e+00 : f32
        %broadcast_in_dim3A_214 = vector.broadcast %jit3A_213 : f32 to vector<16xf32>
        %select_n3A_215 = arith.select %lt3A_212, %broadcast_in_dim3A_214, %add3A_208 : vector<16xi1>, vector<16xf32>
        %gt3A_216 = arith.cmpf ogt, %select_n3A_215, %get3A_73 : vector<16xf32>
        %select_n3A_217 = arith.select %gt3A_216, %get3A_73, %select_n3A_215 : vector<16xi1>, vector<16xf32>
        %lt3A_218 = arith.constant 0.000000e+00 : f32
        %lt3A_219 = vector.broadcast %lt3A_218 : f32 to vector<16xf32>
        %lt3A_220 = arith.cmpf olt, %add3A_209, %lt3A_219 : vector<16xf32>
        %jit3A_221 = arith.constant 0.000000e+00 : f32
        %broadcast_in_dim3A_222 = vector.broadcast %jit3A_221 : f32 to vector<16xf32>
        %select_n3A_223 = arith.select %lt3A_220, %broadcast_in_dim3A_222, %add3A_209 : vector<16xi1>, vector<16xf32>
        %gt3A_224 = arith.cmpf ogt, %select_n3A_223, %get3A_73 : vector<16xf32>
        %select_n3A_225 = arith.select %gt3A_224, %get3A_73, %select_n3A_223 : vector<16xi1>, vector<16xf32>
        %add3A_226 = arith.addf %select_n3A_217, %select_n3A_225 : vector<16xf32>
        %mul3A_227 = arith.constant 5.000000e-01 : f32
        %mul3A_228 = vector.broadcast %mul3A_227 : f32 to vector<16xf32>
        %mul3A_229 = arith.mulf %add3A_226, %mul3A_228 : vector<16xf32>
        %neg3A = arith.constant 0.000000e+00 : f32
        %neg3A_230 = vector.broadcast %neg3A : f32 to vector<16xf32>
        %neg3A_231 = arith.subf %neg3A_230, %get3A_186 : vector<16xf32>
        %exp3A = math.exp %neg3A_231 : vector<16xf32>
        %add3A_232 = arith.constant 1.000000e+00 : f32
        %add3A_233 = vector.broadcast %add3A_232 : f32 to vector<16xf32>
        %add3A_234 = arith.addf %add3A_233, %exp3A : vector<16xf32>
        %div3A_235 = arith.constant 1.000000e+00 : f32
        %div3A_236 = vector.broadcast %div3A_235 : f32 to vector<16xf32>
        %div3A_237 = arith.divf %div3A_236, %add3A_234 : vector<16xf32>
        %ge3A = arith.constant 0.699999988 : f32
        %ge3A_238 = vector.broadcast %ge3A : f32 to vector<16xf32>
        %ge3A_239 = arith.cmpf oge, %div3A_237, %ge3A_238 : vector<16xf32>
        %jit3A_240 = arith.constant -1.000000e+00 : f32
        %broadcast_in_dim3A_241 = vector.broadcast %jit3A_240 : f32 to vector<16xf32>
        %select_n3A_242 = arith.select %ge3A_239, %div3A_237, %broadcast_in_dim3A_241 : vector<16xi1>, vector<16xf32>
        %swap3A_243 = arith.index_cast %mul3A_184 : i32 to index
        %swap3A_244 = tpu.vector_load %arg7[%swap3A_243] {strides = array<i32>} : memref<2048xf32, #tpu.memory_space<vmem>>, vector<16xf32>,
        tpu.vector_store %arg7[%swap3A_243], %select_n3A_242 {strides = array<i32>} : memref<2048xf32, #tpu.memory_space<vmem>>, vector<16xf32>,
        %swap3A_245 = arith.index_cast %mul3A_184 : i32 to index
        %swap3A_246 = tpu.vector_load %arg9[%swap3A_245] {strides = array<i32>} : memref<2048xf32, #tpu.memory_space<vmem>>, vector<16xf32>,
        tpu.vector_store %arg9[%swap3A_245], %select_n3A_217 {strides = array<i32>} : memref<2048xf32, #tpu.memory_space<vmem>>, vector<16xf32>,
        %swap3A_247 = arith.index_cast %mul3A_184 : i32 to index
        %swap3A_248 = tpu.vector_load %arg10[%swap3A_247] {strides = array<i32>} : memref<2048xf32, #tpu.memory_space<vmem>>, vector<16xf32>,
        tpu.vector_store %arg10[%swap3A_247], %select_n3A_225 {strides = array<i32>} : memref<2048xf32, #tpu.memory_space<vmem>>, vector<16xf32>,
        %swap3A_249 = arith.index_cast %mul3A_184 : i32 to index
        %swap3A_250 = tpu.vector_load %arg8[%swap3A_249] {strides = array<i32>} : memref<2048xf32, #tpu.memory_space<vmem>>, vector<16xf32>,
        tpu.vector_store %arg8[%swap3A_249], %mul3A_229 {strides = array<i32>} : memref<2048xf32, #tpu.memory_space<vmem>>, vector<16xf32>,
        %jit3A_251 = arith.constant 1 : i32
        %jit3A_252 = arith.constant 0 : i32
        %broadcast_in_dim3A_253 = vector.broadcast %jit3A_251 : i32 to vector<16xi32>
        %broadcast_in_dim3A_254 = vector.broadcast %jit3A_252 : i32 to vector<16xi32>
        %select_n3A_255 = arith.select %ge3A_239, %broadcast_in_dim3A_253, %broadcast_in_dim3A_254 : vector<16xi1>, vector<16xi32>
        %add3A_256 = arith.addi %scan3A_177, %select_n3A_255 : vector<16xi32>
        %select_n3A_257 = arith.select %ge3A_239, %mul3A_229, %broadcast_in_dim3A_74 : vector<16xi1>, vector<16xf32>
        %max3A_258 = arith.maximumf %scan3A_178, %select_n3A_257 : vector<16xf32>
        %select_n3A_259 = arith.select %ge3A_239, %mul3A_229, %broadcast_in_dim3A_76 : vector<16xi1>, vector<16xf32>
        %min3A = arith.minimumf %scan3A_179, %select_n3A_259 : vector<16xf32>
        %abs3A = math.absf %mul3A_191 : vector<16xf32>
        %abs3A_260 = math.absf %mul3A_196 : vector<16xf32>
        %max3A_261 = arith.maximumf %abs3A, %abs3A_260 : vector<16xf32>
        %jit3A_262 = arith.constant 0.000000e+00 : f32
        %broadcast_in_dim3A_263 = vector.broadcast %jit3A_262 : f32 to vector<16xf32>
        %select_n3A_264 = arith.select %ge3A_239, %max3A_261, %broadcast_in_dim3A_263 : vector<16xi1>, vector<16xf32>
        %max3A_265 = arith.maximumf %scan3A_180, %select_n3A_264 : vector<16xf32>
        %reduce_max3A_266 = arith.constant true
        %reduce_max3A_267 = vector.broadcast %reduce_max3A_266 : i1 to vector<16xi1>
        %reduce_max3A_268 = tpu.scan <max>, %select_n3A_242 masked %reduce_max3A_267 : vector<16xf32>, vector<16xi1> -> vector<16xf32>
        %reduce_max3A_269 = vector.extract %reduce_max3A_268[15] : f32 from vector<16xf32>
        %add3A_270 = arith.constant 1 : i32
        %add3A_271 = arith.addi %mul3A_182, %add3A_270 : i32
        %mul3A_272 = arith.constant 16 : i32
        %mul3A_273 = arith.muli %add3A_271, %mul3A_272 : i32
        %get3A_274 = arith.index_cast %mul3A_273 : i32 to index
        %get3A_275 = tpu.vector_load %arg7[%get3A_274] {strides = array<i32>} : memref<2048xf32, #tpu.memory_space<vmem>>, vector<16xf32>,
        %get3A_276 = arith.index_cast %mul3A_273 : i32 to index
        %get3A_277 = tpu.vector_load %arg9[%get3A_276] {strides = array<i32>} : memref<2048xf32, #tpu.memory_space<vmem>>, vector<16xf32>,
        %mul3A_278 = arith.constant 1.600000e+01 : f32
        %mul3A_279 = vector.broadcast %mul3A_278 : f32 to vector<16xf32>
        %mul3A_280 = arith.mulf %get3A_277, %mul3A_279 : vector<16xf32>
        %get3A_281 = arith.index_cast %mul3A_273 : i32 to index
        %get3A_282 = tpu.vector_load %arg10[%get3A_281] {strides = array<i32>} : memref<2048xf32, #tpu.memory_space<vmem>>, vector<16xf32>,
        %mul3A_283 = arith.constant 1.600000e+01 : f32
        %mul3A_284 = vector.broadcast %mul3A_283 : f32 to vector<16xf32>
        %mul3A_285 = arith.mulf %get3A_282, %mul3A_284 : vector<16xf32>
        %mul3A_286 = arith.constant 16 : i32
        %mul3A_287 = arith.muli %add3A_271, %mul3A_286 : i32
        %add3A_288 = vector.broadcast %mul3A_287 : i32 to vector<16xi32>
        %add3A_289 = arith.addi %iota3A, %add3A_288 : vector<16xi32>
        %convert_element_type3A_290 = arith.sitofp %add3A_289 : vector<16xi32> to vector<16xf32>
        %add3A_291 = arith.constant 5.000000e-01 : f32
        %add3A_292 = vector.broadcast %add3A_291 : f32 to vector<16xf32>
        %add3A_293 = arith.addf %convert_element_type3A_290, %add3A_292 : vector<16xf32>
        %mul3A_294 = arith.constant 1.600000e+01 : f32
        %mul3A_295 = vector.broadcast %mul3A_294 : f32 to vector<16xf32>
        %mul3A_296 = arith.mulf %add3A_293, %mul3A_295 : vector<16xf32>
        %add3A_297 = arith.addf %mul3A_280, %mul3A_296 : vector<16xf32>
        %add3A_298 = arith.addf %mul3A_285, %mul3A_296 : vector<16xf32>
        %lt3A_299 = arith.constant 0.000000e+00 : f32
        %lt3A_300 = vector.broadcast %lt3A_299 : f32 to vector<16xf32>
        %lt3A_301 = arith.cmpf olt, %add3A_297, %lt3A_300 : vector<16xf32>
        %jit3A_302 = arith.constant 0.000000e+00 : f32
        %broadcast_in_dim3A_303 = vector.broadcast %jit3A_302 : f32 to vector<16xf32>
        %select_n3A_304 = arith.select %lt3A_301, %broadcast_in_dim3A_303, %add3A_297 : vector<16xi1>, vector<16xf32>
        %gt3A_305 = arith.cmpf ogt, %select_n3A_304, %get3A_73 : vector<16xf32>
        %select_n3A_306 = arith.select %gt3A_305, %get3A_73, %select_n3A_304 : vector<16xi1>, vector<16xf32>
        %lt3A_307 = arith.constant 0.000000e+00 : f32
        %lt3A_308 = vector.broadcast %lt3A_307 : f32 to vector<16xf32>
        %lt3A_309 = arith.cmpf olt, %add3A_298, %lt3A_308 : vector<16xf32>
        %jit3A_310 = arith.constant 0.000000e+00 : f32
        %broadcast_in_dim3A_311 = vector.broadcast %jit3A_310 : f32 to vector<16xf32>
        %select_n3A_312 = arith.select %lt3A_309, %broadcast_in_dim3A_311, %add3A_298 : vector<16xi1>, vector<16xf32>
        %gt3A_313 = arith.cmpf ogt, %select_n3A_312, %get3A_73 : vector<16xf32>
        %select_n3A_314 = arith.select %gt3A_313, %get3A_73, %select_n3A_312 : vector<16xi1>, vector<16xf32>
        %add3A_315 = arith.addf %select_n3A_306, %select_n3A_314 : vector<16xf32>
        %mul3A_316 = arith.constant 5.000000e-01 : f32
        %mul3A_317 = vector.broadcast %mul3A_316 : f32 to vector<16xf32>
        %mul3A_318 = arith.mulf %add3A_315, %mul3A_317 : vector<16xf32>
        %neg3A_319 = arith.constant 0.000000e+00 : f32
        %neg3A_320 = vector.broadcast %neg3A_319 : f32 to vector<16xf32>
        %neg3A_321 = arith.subf %neg3A_320, %get3A_275 : vector<16xf32>
        %exp3A_322 = math.exp %neg3A_321 : vector<16xf32>
        %add3A_323 = arith.constant 1.000000e+00 : f32
        %add3A_324 = vector.broadcast %add3A_323 : f32 to vector<16xf32>
        %add3A_325 = arith.addf %add3A_324, %exp3A_322 : vector<16xf32>
        %div3A_326 = arith.constant 1.000000e+00 : f32
        %div3A_327 = vector.broadcast %div3A_326 : f32 to vector<16xf32>
        %div3A_328 = arith.divf %div3A_327, %add3A_325 : vector<16xf32>
        %ge3A_329 = arith.constant 0.699999988 : f32
        %ge3A_330 = vector.broadcast %ge3A_329 : f32 to vector<16xf32>
        %ge3A_331 = arith.cmpf oge, %div3A_328, %ge3A_330 : vector<16xf32>
        %jit3A_332 = arith.constant -1.000000e+00 : f32
        %broadcast_in_dim3A_333 = vector.broadcast %jit3A_332 : f32 to vector<16xf32>
        %select_n3A_334 = arith.select %ge3A_331, %div3A_328, %broadcast_in_dim3A_333 : vector<16xi1>, vector<16xf32>
        %swap3A_335 = arith.index_cast %mul3A_273 : i32 to index
        %swap3A_336 = tpu.vector_load %arg7[%swap3A_335] {strides = array<i32>} : memref<2048xf32, #tpu.memory_space<vmem>>, vector<16xf32>,
        tpu.vector_store %arg7[%swap3A_335], %select_n3A_334 {strides = array<i32>} : memref<2048xf32, #tpu.memory_space<vmem>>, vector<16xf32>,
        %swap3A_337 = arith.index_cast %mul3A_273 : i32 to index
        %swap3A_338 = tpu.vector_load %arg9[%swap3A_337] {strides = array<i32>} : memref<2048xf32, #tpu.memory_space<vmem>>, vector<16xf32>,
        tpu.vector_store %arg9[%swap3A_337], %select_n3A_306 {strides = array<i32>} : memref<2048xf32, #tpu.memory_space<vmem>>, vector<16xf32>,
        %swap3A_339 = arith.index_cast %mul3A_273 : i32 to index
        %swap3A_340 = tpu.vector_load %arg10[%swap3A_339] {strides = array<i32>} : memref<2048xf32, #tpu.memory_space<vmem>>, vector<16xf32>,
        tpu.vector_store %arg10[%swap3A_339], %select_n3A_314 {strides = array<i32>} : memref<2048xf32, #tpu.memory_space<vmem>>, vector<16xf32>,
        %swap3A_341 = arith.index_cast %mul3A_273 : i32 to index
        %swap3A_342 = tpu.vector_load %arg8[%swap3A_341] {strides = array<i32>} : memref<2048xf32, #tpu.memory_space<vmem>>, vector<16xf32>,
        tpu.vector_store %arg8[%swap3A_341], %mul3A_318 {strides = array<i32>} : memref<2048xf32, #tpu.memory_space<vmem>>, vector<16xf32>,
        %jit3A_343 = arith.constant 1 : i32
        %jit3A_344 = arith.constant 0 : i32
        %broadcast_in_dim3A_345 = vector.broadcast %jit3A_343 : i32 to vector<16xi32>
        %broadcast_in_dim3A_346 = vector.broadcast %jit3A_344 : i32 to vector<16xi32>
        %select_n3A_347 = arith.select %ge3A_331, %broadcast_in_dim3A_345, %broadcast_in_dim3A_346 : vector<16xi1>, vector<16xi32>
        %add3A_348 = arith.addi %add3A_256, %select_n3A_347 : vector<16xi32>
        %select_n3A_349 = arith.select %ge3A_331, %mul3A_318, %broadcast_in_dim3A_74 : vector<16xi1>, vector<16xf32>
        %max3A_350 = arith.maximumf %max3A_258, %select_n3A_349 : vector<16xf32>
        %select_n3A_351 = arith.select %ge3A_331, %mul3A_318, %broadcast_in_dim3A_76 : vector<16xi1>, vector<16xf32>
        %min3A_352 = arith.minimumf %min3A, %select_n3A_351 : vector<16xf32>
        %abs3A_353 = math.absf %mul3A_280 : vector<16xf32>
        %abs3A_354 = math.absf %mul3A_285 : vector<16xf32>
        %max3A_355 = arith.maximumf %abs3A_353, %abs3A_354 : vector<16xf32>
        %jit3A_356 = arith.constant 0.000000e+00 : f32
        %broadcast_in_dim3A_357 = vector.broadcast %jit3A_356 : f32 to vector<16xf32>
        %select_n3A_358 = arith.select %ge3A_331, %max3A_355, %broadcast_in_dim3A_357 : vector<16xi1>, vector<16xf32>
        %max3A_359 = arith.maximumf %max3A_265, %select_n3A_358 : vector<16xf32>
        %reduce_max3A_360 = arith.constant true
        %reduce_max3A_361 = vector.broadcast %reduce_max3A_360 : i1 to vector<16xi1>
        %reduce_max3A_362 = tpu.scan <max>, %select_n3A_334 masked %reduce_max3A_361 : vector<16xf32>, vector<16xi1> -> vector<16xf32>
        %reduce_max3A_363 = vector.extract %reduce_max3A_362[15] : f32 from vector<16xf32>
        %jit3A_364 = arith.constant 16 : i32
        %div3A_365 = arith.divsi %mul3A_182, %jit3A_364 : i32
        %sign3A = arith.constant 0 : i32
        %sign3A_366 = arith.cmpi sgt, %mul3A_182, %sign3A : i32
        %sign3A_367 = arith.extui %sign3A_366 : i1 to i32
        %sign3A_368 = arith.constant 0 : i32
        %sign3A_369 = arith.cmpi slt, %mul3A_182, %sign3A_368 : i32
        %sign3A_370 = arith.extui %sign3A_369 : i1 to i32
        %sign3A_371 = arith.subi %sign3A_367, %sign3A_370 : i32
        %sign3A_372 = arith.constant 0 : i32
        %sign3A_373 = arith.cmpi sgt, %jit3A_364, %sign3A_372 : i32
        %sign3A_374 = arith.extui %sign3A_373 : i1 to i32
        %sign3A_375 = arith.constant 0 : i32
        %sign3A_376 = arith.cmpi slt, %jit3A_364, %sign3A_375 : i32
        %sign3A_377 = arith.extui %sign3A_376 : i1 to i32
        %sign3A_378 = arith.subi %sign3A_374, %sign3A_377 : i32
        %ne3A = arith.cmpi ne, %sign3A_371, %sign3A_378 : i32
        %rem3A = arith.remsi %mul3A_182, %jit3A_364 : i32
        %ne3A_379 = arith.constant 0 : i32
        %ne3A_380 = arith.cmpi ne, %rem3A, %ne3A_379 : i32
        %and3A = arith.andi %ne3A, %ne3A_380 : i1
        %sub3A_381 = arith.constant 1 : i32
        %sub3A_382 = arith.subi %div3A_365, %sub3A_381 : i32
        %select_n3A_383 = arith.select %and3A, %sub3A_382, %div3A_365 : i32
        %mul3A_384 = arith.constant 16 : i32
        %mul3A_385 = arith.muli %select_n3A_383, %mul3A_384 : i32
        %get3A_386 = arith.index_cast %mul3A_385 : i32 to index
        %get3A_387 = tpu.vector_load %arg12[%get3A_386] {strides = array<i32>} : memref<128xf32, #tpu.memory_space<vmem>>, vector<16xf32>,
        %sub3A_388 = arith.subi %mul3A_182, %mul3A_385 : i32
        %eq3A = vector.broadcast %sub3A_388 : i32 to vector<16xi32>
        %eq3A_389 = arith.cmpi eq, %iota3A, %eq3A : vector<16xi32>
        %broadcast_in_dim3A_390 = vector.broadcast %reduce_max3A_269 : f32 to vector<16xf32>
        %select_n3A_391 = arith.select %eq3A_389, %broadcast_in_dim3A_390, %get3A_387 : vector<16xi1>, vector<16xf32>
        %add3A_392 = arith.constant 1 : i32
        %add3A_393 = arith.addi %mul3A_182, %add3A_392 : i32
        %sub3A_394 = arith.subi %add3A_393, %mul3A_385 : i32
        %eq3A_395 = vector.broadcast %sub3A_394 : i32 to vector<16xi32>
        %eq3A_396 = arith.cmpi eq, %iota3A, %eq3A_395 : vector<16xi32>
        %broadcast_in_dim3A_397 = vector.broadcast %reduce_max3A_363 : f32 to vector<16xf32>
        %select_n3A_398 = arith.select %eq3A_396, %broadcast_in_dim3A_397, %select_n3A_391 : vector<16xi1>, vector<16xf32>
        %swap3A_399 = arith.index_cast %mul3A_385 : i32 to index
        %swap3A_400 = tpu.vector_load %arg12[%swap3A_399] {strides = array<i32>} : memref<128xf32, #tpu.memory_space<vmem>>, vector<16xf32>,
        tpu.vector_store %arg12[%swap3A_399], %select_n3A_398 {strides = array<i32>} : memref<128xf32, #tpu.memory_space<vmem>>, vector<16xf32>,
        scf.yield %add3A_348, %max3A_350, %min3A_352, %max3A_359 : vector<16xi32>, vector<16xf32>, vector<16xf32>, vector<16xf32>
      }
      %scan3A_89 = arith.constant 64 : i32
      %reduce_sum3A = arith.constant true
      %reduce_sum3A_90 = vector.broadcast %reduce_sum3A : i1 to vector<16xi1>
      %reduce_sum3A_91 = tpu.scan <sum>, %scan3A_88#0 masked %reduce_sum3A_90 : vector<16xi32>, vector<16xi1> -> vector<16xi32>
      %reduce_sum3A_92 = vector.extract %reduce_sum3A_91[15] : i32 from vector<16xi32>
      %reduce_max3A = arith.constant true
      %reduce_max3A_93 = vector.broadcast %reduce_max3A : i1 to vector<16xi1>
      %reduce_max3A_94 = tpu.scan <max>, %scan3A_88#1 masked %reduce_max3A_93 : vector<16xf32>, vector<16xi1> -> vector<16xf32>
      %reduce_max3A_95 = vector.extract %reduce_max3A_94[15] : f32 from vector<16xf32>
      %reduce_min3A = arith.constant true
      %reduce_min3A_96 = vector.broadcast %reduce_min3A : i1 to vector<16xi1>
      %reduce_min3A_97 = tpu.scan <min>, %scan3A_88#2 masked %reduce_min3A_96 : vector<16xf32>, vector<16xi1> -> vector<16xf32>
      %reduce_min3A_98 = vector.extract %reduce_min3A_97[15] : f32 from vector<16xf32>
      %sub3A = arith.constant 1 : i32
      %sub3A_99 = arith.subi %reduce_sum3A_92, %sub3A : i32
      %max3A = arith.constant 1 : i32
      %max3A_100 = arith.maxsi %sub3A_99, %max3A : i32
      %broadcast_in_dim3A_101 = vector.broadcast %max3A_100 : i32 to vector<16xi32>
      %convert_element_type3A_102 = arith.sitofp %broadcast_in_dim3A_101 : vector<16xi32> to vector<16xf32>
      %broadcast_in_dim3A_103 = vector.broadcast %reduce_max3A_95 : f32 to vector<16xf32>
      %broadcast_in_dim3A_104 = vector.broadcast %reduce_min3A_98 : f32 to vector<16xf32>
      %sub3A_105 = arith.subf %broadcast_in_dim3A_103, %broadcast_in_dim3A_104 : vector<16xf32>
      %gt3A = arith.constant 1 : i32
      %gt3A_106 = arith.cmpi sgt, %reduce_sum3A_92, %gt3A : i32
      %mul3A_107 = arith.constant 5.500000e-01 : f32
      %mul3A_108 = vector.broadcast %mul3A_107 : f32 to vector<16xf32>
      %mul3A_109 = arith.mulf %mul3A_108, %sub3A_105 : vector<16xf32>
      %div3A = arith.divf %mul3A_109, %convert_element_type3A_102 : vector<16xf32>
      %jit3A = arith.constant 0.000000e+00 : f32
      %broadcast_in_dim3A_110 = vector.broadcast %jit3A : f32 to vector<16xf32>
      %select_n3A = arith.select %gt3A_106, %div3A, %broadcast_in_dim3A_110 : vector<16xf32>
      %reduce_max3A_111 = arith.constant true
      %reduce_max3A_112 = vector.broadcast %reduce_max3A_111 : i1 to vector<16xi1>
      %reduce_max3A_113 = tpu.scan <max>, %scan3A_88#3 masked %reduce_max3A_112 : vector<16xf32>, vector<16xi1> -> vector<16xf32>
      %reduce_max3A_114 = vector.extract %reduce_max3A_113[15] : f32 from vector<16xf32>
      %broadcast_in_dim3A_115 = vector.broadcast %reduce_max3A_114 : f32 to vector<16xf32>
      %add3A_116 = arith.addf %select_n3A, %broadcast_in_dim3A_115 : vector<16xf32>
      %add3A_117 = arith.constant 8.500000e+00 : f32
      %add3A_118 = vector.broadcast %add3A_117 : f32 to vector<16xf32>
      %add3A_119 = arith.addf %add3A_116, %add3A_118 : vector<16xf32>
      %broadcast_in_dim3A_120 = arith.constant 0.000000e+00 : f32
      %broadcast_in_dim3A_121 = vector.broadcast %broadcast_in_dim3A_120 : f32 to vector<16xf32>
      %swap3A = arith.constant 0 : index
      %swap3A_122 = tpu.vector_load %arg13[%swap3A] {strides = array<i32>} : memref<128xf32, #tpu.memory_space<vmem>>, vector<16xf32>,
      tpu.vector_store %arg13[%swap3A], %broadcast_in_dim3A_121 {strides = array<i32>} : memref<128xf32, #tpu.memory_space<vmem>>, vector<16xf32>,
      %swap3A_123 = arith.constant 16 : index
      %swap3A_124 = tpu.vector_load %arg13[%swap3A_123] {strides = array<i32>} : memref<128xf32, #tpu.memory_space<vmem>>, vector<16xf32>,
      tpu.vector_store %arg13[%swap3A_123], %broadcast_in_dim3A_121 {strides = array<i32>} : memref<128xf32, #tpu.memory_space<vmem>>, vector<16xf32>,
      %swap3A_125 = arith.constant 32 : index
      %swap3A_126 = tpu.vector_load %arg13[%swap3A_125] {strides = array<i32>} : memref<128xf32, #tpu.memory_space<vmem>>, vector<16xf32>,
      tpu.vector_store %arg13[%swap3A_125], %broadcast_in_dim3A_121 {strides = array<i32>} : memref<128xf32, #tpu.memory_space<vmem>>, vector<16xf32>,
      %swap3A_127 = arith.constant 48 : index
      %swap3A_128 = tpu.vector_load %arg13[%swap3A_127] {strides = array<i32>} : memref<128xf32, #tpu.memory_space<vmem>>, vector<16xf32>,
      tpu.vector_store %arg13[%swap3A_127], %broadcast_in_dim3A_121 {strides = array<i32>} : memref<128xf32, #tpu.memory_space<vmem>>, vector<16xf32>,
      %swap3A_129 = arith.constant 64 : index
      %swap3A_130 = tpu.vector_load %arg13[%swap3A_129] {strides = array<i32>} : memref<128xf32, #tpu.memory_space<vmem>>, vector<16xf32>,
      tpu.vector_store %arg13[%swap3A_129], %broadcast_in_dim3A_121 {strides = array<i32>} : memref<128xf32, #tpu.memory_space<vmem>>, vector<16xf32>,
      %swap3A_131 = arith.constant 80 : index
      %swap3A_132 = tpu.vector_load %arg13[%swap3A_131] {strides = array<i32>} : memref<128xf32, #tpu.memory_space<vmem>>, vector<16xf32>,
      tpu.vector_store %arg13[%swap3A_131], %broadcast_in_dim3A_121 {strides = array<i32>} : memref<128xf32, #tpu.memory_space<vmem>>, vector<16xf32>,
      %swap3A_133 = arith.constant 96 : index
      %swap3A_134 = tpu.vector_load %arg13[%swap3A_133] {strides = array<i32>} : memref<128xf32, #tpu.memory_space<vmem>>, vector<16xf32>,
      tpu.vector_store %arg13[%swap3A_133], %broadcast_in_dim3A_121 {strides = array<i32>} : memref<128xf32, #tpu.memory_space<vmem>>, vector<16xf32>,
      %swap3A_135 = arith.constant 112 : index
      %swap3A_136 = tpu.vector_load %arg13[%swap3A_135] {strides = array<i32>} : memref<128xf32, #tpu.memory_space<vmem>>, vector<16xf32>,
      tpu.vector_store %arg13[%swap3A_135], %broadcast_in_dim3A_121 {strides = array<i32>} : memref<128xf32, #tpu.memory_space<vmem>>, vector<16xf32>,
      %swap3A_137 = arith.constant 0 : index
      %swap3A_138 = tpu.vector_load %arg14[%swap3A_137] {strides = array<i32>} : memref<64xf32, #tpu.memory_space<vmem>>, vector<16xf32>,
      tpu.vector_store %arg14[%swap3A_137], %broadcast_in_dim3A_121 {strides = array<i32>} : memref<64xf32, #tpu.memory_space<vmem>>, vector<16xf32>,
      %swap3A_139 = arith.constant 16 : index
      %swap3A_140 = tpu.vector_load %arg14[%swap3A_139] {strides = array<i32>} : memref<64xf32, #tpu.memory_space<vmem>>, vector<16xf32>,
      tpu.vector_store %arg14[%swap3A_139], %broadcast_in_dim3A_121 {strides = array<i32>} : memref<64xf32, #tpu.memory_space<vmem>>, vector<16xf32>,
      %swap3A_141 = arith.constant 32 : index
      %swap3A_142 = tpu.vector_load %arg14[%swap3A_141] {strides = array<i32>} : memref<64xf32, #tpu.memory_space<vmem>>, vector<16xf32>,
      tpu.vector_store %arg14[%swap3A_141], %broadcast_in_dim3A_121 {strides = array<i32>} : memref<64xf32, #tpu.memory_space<vmem>>, vector<16xf32>,
      %swap3A_143 = arith.constant 48 : index
      %swap3A_144 = tpu.vector_load %arg14[%swap3A_143] {strides = array<i32>} : memref<64xf32, #tpu.memory_space<vmem>>, vector<16xf32>,
      tpu.vector_store %arg14[%swap3A_143], %broadcast_in_dim3A_121 {strides = array<i32>} : memref<64xf32, #tpu.memory_space<vmem>>, vector<16xf32>,
      %scan3A_145 = arith.constant 0 : i32
      %scan3A_146 = arith.constant 3.906250e-03 : f32
      %scan3A_147 = arith.constant 0 : i32
      %scan3A_148 = arith.constant 50 : i32
      %scan3A_149 = arith.addi %scan3A_147, %scan3A_148 : i32
      %scan3A_150 = arith.constant 1 : i32
      scf.for %scan3A_176 = %scan3A_147 to %scan3A_149 step %scan3A_150  : i32 {
        %get3A_177 = arith.constant 0 : index
        %get3A_178 = tpu.vector_load %arg12[%get3A_177] {strides = array<i32>} : memref<128xf32, #tpu.memory_space<vmem>>, vector<16xf32>,
        %gt3A_179 = arith.cmpf ogt, %get3A_178, %broadcast_in_dim3A_78 : vector<16xf32>
        %select_n3A_180 = arith.select %gt3A_179, %get3A_178, %broadcast_in_dim3A_78 : vector<16xi1>, vector<16xf32>
        %jit3A_181 = arith.constant 0 : i32
        %broadcast_in_dim3A_182 = vector.broadcast %jit3A_181 : i32 to vector<16xi32>
        %select_n3A_183 = arith.select %gt3A_179, %broadcast_in_dim3A_182, %broadcast_in_dim3A_80 : vector<16xi1>, vector<16xi32>
        %get3A_184 = arith.constant 16 : index
        %get3A_185 = tpu.vector_load %arg12[%get3A_184] {strides = array<i32>} : memref<128xf32, #tpu.memory_space<vmem>>, vector<16xf32>,
        %gt3A_186 = arith.cmpf ogt, %get3A_185, %select_n3A_180 : vector<16xf32>
        %select_n3A_187 = arith.select %gt3A_186, %get3A_185, %select_n3A_180 : vector<16xi1>, vector<16xf32>
        %jit3A_188 = arith.constant 1 : i32
        %broadcast_in_dim3A_189 = vector.broadcast %jit3A_188 : i32 to vector<16xi32>
        %select_n3A_190 = arith.select %gt3A_186, %broadcast_in_dim3A_189, %select_n3A_183 : vector<16xi1>, vector<16xi32>
        %get3A_191 = arith.constant 32 : index
        %get3A_192 = tpu.vector_load %arg12[%get3A_191] {strides = array<i32>} : memref<128xf32, #tpu.memory_space<vmem>>, vector<16xf32>,
        %gt3A_193 = arith.cmpf ogt, %get3A_192, %select_n3A_187 : vector<16xf32>
        %select_n3A_194 = arith.select %gt3A_193, %get3A_192, %select_n3A_187 : vector<16xi1>, vector<16xf32>
        %jit3A_195 = arith.constant 2 : i32
        %broadcast_in_dim3A_196 = vector.broadcast %jit3A_195 : i32 to vector<16xi32>
        %select_n3A_197 = arith.select %gt3A_193, %broadcast_in_dim3A_196, %select_n3A_190 : vector<16xi1>, vector<16xi32>
        %get3A_198 = arith.constant 48 : index
        %get3A_199 = tpu.vector_load %arg12[%get3A_198] {strides = array<i32>} : memref<128xf32, #tpu.memory_space<vmem>>, vector<16xf32>,
        %gt3A_200 = arith.cmpf ogt, %get3A_199, %select_n3A_194 : vector<16xf32>
        %select_n3A_201 = arith.select %gt3A_200, %get3A_199, %select_n3A_194 : vector<16xi1>, vector<16xf32>
        %jit3A_202 = arith.constant 3 : i32
        %broadcast_in_dim3A_203 = vector.broadcast %jit3A_202 : i32 to vector<16xi32>
        %select_n3A_204 = arith.select %gt3A_200, %broadcast_in_dim3A_203, %select_n3A_197 : vector<16xi1>, vector<16xi32>
        %get3A_205 = arith.constant 64 : index
        %get3A_206 = tpu.vector_load %arg12[%get3A_205] {strides = array<i32>} : memref<128xf32, #tpu.memory_space<vmem>>, vector<16xf32>,
        %gt3A_207 = arith.cmpf ogt, %get3A_206, %select_n3A_201 : vector<16xf32>
        %select_n3A_208 = arith.select %gt3A_207, %get3A_206, %select_n3A_201 : vector<16xi1>, vector<16xf32>
        %jit3A_209 = arith.constant 4 : i32
        %broadcast_in_dim3A_210 = vector.broadcast %jit3A_209 : i32 to vector<16xi32>
        %select_n3A_211 = arith.select %gt3A_207, %broadcast_in_dim3A_210, %select_n3A_204 : vector<16xi1>, vector<16xi32>
        %get3A_212 = arith.constant 80 : index
        %get3A_213 = tpu.vector_load %arg12[%get3A_212] {strides = array<i32>} : memref<128xf32, #tpu.memory_space<vmem>>, vector<16xf32>,
        %gt3A_214 = arith.cmpf ogt, %get3A_213, %select_n3A_208 : vector<16xf32>
        %select_n3A_215 = arith.select %gt3A_214, %get3A_213, %select_n3A_208 : vector<16xi1>, vector<16xf32>
        %jit3A_216 = arith.constant 5 : i32
        %broadcast_in_dim3A_217 = vector.broadcast %jit3A_216 : i32 to vector<16xi32>
        %select_n3A_218 = arith.select %gt3A_214, %broadcast_in_dim3A_217, %select_n3A_211 : vector<16xi1>, vector<16xi32>
        %get3A_219 = arith.constant 96 : index
        %get3A_220 = tpu.vector_load %arg12[%get3A_219] {strides = array<i32>} : memref<128xf32, #tpu.memory_space<vmem>>, vector<16xf32>,
        %gt3A_221 = arith.cmpf ogt, %get3A_220, %select_n3A_215 : vector<16xf32>
        %select_n3A_222 = arith.select %gt3A_221, %get3A_220, %select_n3A_215 : vector<16xi1>, vector<16xf32>
        %jit3A_223 = arith.constant 6 : i32
        %broadcast_in_dim3A_224 = vector.broadcast %jit3A_223 : i32 to vector<16xi32>
        %select_n3A_225 = arith.select %gt3A_221, %broadcast_in_dim3A_224, %select_n3A_218 : vector<16xi1>, vector<16xi32>
        %get3A_226 = arith.constant 112 : index
        %get3A_227 = tpu.vector_load %arg12[%get3A_226] {strides = array<i32>} : memref<128xf32, #tpu.memory_space<vmem>>, vector<16xf32>,
        %gt3A_228 = arith.cmpf ogt, %get3A_227, %select_n3A_222 : vector<16xf32>
        %select_n3A_229 = arith.select %gt3A_228, %get3A_227, %select_n3A_222 : vector<16xi1>, vector<16xf32>
        %jit3A_230 = arith.constant 7 : i32
        %broadcast_in_dim3A_231 = vector.broadcast %jit3A_230 : i32 to vector<16xi32>
        %select_n3A_232 = arith.select %gt3A_228, %broadcast_in_dim3A_231, %select_n3A_225 : vector<16xi1>, vector<16xi32>
        %bitcast3A = vector.bitcast %select_n3A_229 : vector<16xf32> to vector<16xi32>
        %reduce_max3A_233 = arith.constant true
        %reduce_max3A_234 = vector.broadcast %reduce_max3A_233 : i1 to vector<16xi1>
        %reduce_max3A_235 = arith.constant -2147483648 : i32
        %reduce_max3A_236 = vector.broadcast %reduce_max3A_235 : i32 to vector<16xi32>
        %reduce_max3A_237 = arith.xori %bitcast3A, %reduce_max3A_236 : vector<16xi32>
        %reduce_max3A_238 = tpu.scan <max>, %reduce_max3A_237 masked %reduce_max3A_234 : vector<16xi32>, vector<16xi1> -> vector<16xi32>
        %reduce_max3A_239 = arith.xori %reduce_max3A_238, %reduce_max3A_236 : vector<16xi32>
        %reduce_max3A_240 = vector.extract %reduce_max3A_239[15] : i32 from vector<16xi32>
        %ge3A = arith.constant 0 : i32
        %ge3A_241 = arith.cmpi sge, %reduce_max3A_240, %ge3A : i32
        %convert_element_type3A_242 = arith.extui %ge3A_241 : i1 to i32
        %cond3A_243 = arith.constant 0 : i32
        %cond3A_244 = arith.cmpi ne, %convert_element_type3A_242, %cond3A_243 : i32
        scf.if %cond3A_244 {
          %broadcast_in_dim3A_245 = vector.broadcast %reduce_max3A_240 : i32 to vector<16xi32>
          %bitcast3A_246 = vector.bitcast %broadcast_in_dim3A_245 : vector<16xi32> to vector<16xf32>
          %eq3A = arith.cmpf oeq, %select_n3A_229, %bitcast3A_246 : vector<16xf32>
          %mul3A_247 = arith.constant 16 : i32
          %mul3A_248 = vector.broadcast %mul3A_247 : i32 to vector<16xi32>
          %mul3A_249 = arith.muli %select_n3A_232, %mul3A_248 : vector<16xi32>
          %add3A_250 = arith.addi %mul3A_249, %iota3A : vector<16xi32>
          %jit3A_251 = arith.constant 128 : i32
          %broadcast_in_dim3A_252 = vector.broadcast %jit3A_251 : i32 to vector<16xi32>
          %select_n3A_253 = arith.select %eq3A, %add3A_250, %broadcast_in_dim3A_252 : vector<16xi1>, vector<16xi32>
          %reduce_min3A_254 = arith.constant true
          %reduce_min3A_255 = vector.broadcast %reduce_min3A_254 : i1 to vector<16xi1>
          %reduce_min3A_256 = arith.constant -2147483648 : i32
          %reduce_min3A_257 = vector.broadcast %reduce_min3A_256 : i32 to vector<16xi32>
          %reduce_min3A_258 = arith.xori %select_n3A_253, %reduce_min3A_257 : vector<16xi32>
          %reduce_min3A_259 = tpu.scan <min>, %reduce_min3A_258 masked %reduce_min3A_255 : vector<16xi32>, vector<16xi1> -> vector<16xi32>
          %reduce_min3A_260 = arith.xori %reduce_min3A_259, %reduce_min3A_257 : vector<16xi32>
          %reduce_min3A_261 = vector.extract %reduce_min3A_260[15] : i32 from vector<16xi32>
          %mul3A_262 = arith.constant 16 : i32
          %mul3A_263 = arith.muli %reduce_min3A_261, %mul3A_262 : i32
          %get3A_264 = arith.index_cast %mul3A_263 : i32 to index
          %get3A_265 = tpu.vector_load %arg7[%get3A_264] {strides = array<i32>} : memref<2048xf32, #tpu.memory_space<vmem>>, vector<16xf32>,
          %eq3A_266 = arith.cmpf oeq, %get3A_265, %bitcast3A_246 : vector<16xf32>
          %all_reduce_ffs3A = tpu.all_reduce %eq3A_266 {dim = 0 : i64, kind = #tpu.reduction_kind<find_first_set>} : vector<16xi1> -> vector<16xi32>
          %get3A_267 = arith.index_cast %mul3A_263 : i32 to index
          %get3A_268 = tpu.vector_load %arg8[%get3A_267] {strides = array<i32>} : memref<2048xf32, #tpu.memory_space<vmem>>, vector<16xf32>,
          %broadcast_in_dim3A_269 = vector.shape_cast %all_reduce_ffs3A : vector<16xi32> to vector<16x1xi32>
          %gather3A = vector.shape_cast %broadcast_in_dim3A_269 : vector<16x1xi32> to vector<16xi32>
          %gather3A_270 = tpu.dynamic_gather %get3A_268[%gather3A] in [0] : vector<16xf32>, vector<16xi32> -> vector<16xf32>
          %get3A_271 = arith.index_cast %mul3A_263 : i32 to index
          %get3A_272 = tpu.vector_load %arg9[%get3A_271] {strides = array<i32>} : memref<2048xf32, #tpu.memory_space<vmem>>, vector<16xf32>,
          %broadcast_in_dim3A_273 = vector.shape_cast %all_reduce_ffs3A : vector<16xi32> to vector<16x1xi32>
          %gather3A_274 = vector.shape_cast %broadcast_in_dim3A_273 : vector<16x1xi32> to vector<16xi32>
          %gather3A_275 = tpu.dynamic_gather %get3A_272[%gather3A_274] in [0] : vector<16xf32>, vector<16xi32> -> vector<16xf32>
          %get3A_276 = arith.index_cast %mul3A_263 : i32 to index
          %get3A_277 = tpu.vector_load %arg10[%get3A_276] {strides = array<i32>} : memref<2048xf32, #tpu.memory_space<vmem>>, vector<16xf32>,
          %broadcast_in_dim3A_278 = vector.shape_cast %all_reduce_ffs3A : vector<16xi32> to vector<16x1xi32>
          %gather3A_279 = vector.shape_cast %broadcast_in_dim3A_278 : vector<16x1xi32> to vector<16xi32>
          %gather3A_280 = tpu.dynamic_gather %get3A_277[%gather3A_279] in [0] : vector<16xf32>, vector<16xi32> -> vector<16xf32>
          %broadcast_in_dim3A_281 = vector.shape_cast %all_reduce_ffs3A : vector<16xi32> to vector<16x1xi32>
          %gather3A_282 = vector.shape_cast %broadcast_in_dim3A_281 : vector<16x1xi32> to vector<16xi32>
          %gather3A_283 = tpu.dynamic_gather %get3A_265[%gather3A_282] in [0] : vector<16xf32>, vector<16xi32> -> vector<16xf32>
          %mul3A_284 = arith.constant 2 : i32
          %mul3A_285 = arith.muli %mul3A_284, %scan3A_176 : i32
          %jit3A_286 = arith.constant 16 : i32
          %div3A_287 = arith.divsi %mul3A_285, %jit3A_286 : i32
          %sign3A = arith.constant 0 : i32
          %sign3A_288 = arith.cmpi sgt, %mul3A_285, %sign3A : i32
          %sign3A_289 = arith.extui %sign3A_288 : i1 to i32
          %sign3A_290 = arith.constant 0 : i32
          %sign3A_291 = arith.cmpi slt, %mul3A_285, %sign3A_290 : i32
          %sign3A_292 = arith.extui %sign3A_291 : i1 to i32
          %sign3A_293 = arith.subi %sign3A_289, %sign3A_292 : i32
          %sign3A_294 = arith.constant 0 : i32
          %sign3A_295 = arith.cmpi sgt, %jit3A_286, %sign3A_294 : i32
          %sign3A_296 = arith.extui %sign3A_295 : i1 to i32
          %sign3A_297 = arith.constant 0 : i32
          %sign3A_298 = arith.cmpi slt, %jit3A_286, %sign3A_297 : i32
          %sign3A_299 = arith.extui %sign3A_298 : i1 to i32
          %sign3A_300 = arith.subi %sign3A_296, %sign3A_299 : i32
          %ne3A = arith.cmpi ne, %sign3A_293, %sign3A_300 : i32
          %rem3A = arith.remsi %mul3A_285, %jit3A_286 : i32
          %ne3A_301 = arith.constant 0 : i32
          %ne3A_302 = arith.cmpi ne, %rem3A, %ne3A_301 : i32
          %and3A = arith.andi %ne3A, %ne3A_302 : i1
          %sub3A_303 = arith.constant 1 : i32
          %sub3A_304 = arith.subi %div3A_287, %sub3A_303 : i32
          %select_n3A_305 = arith.select %and3A, %sub3A_304, %div3A_287 : i32
          %mul3A_306 = arith.constant 16 : i32
          %mul3A_307 = arith.muli %select_n3A_305, %mul3A_306 : i32
          %sub3A_308 = arith.subi %mul3A_285, %mul3A_307 : i32
          %eq3A_309 = vector.broadcast %sub3A_308 : i32 to vector<16xi32>
          %eq3A_310 = arith.cmpi eq, %iota3A, %eq3A_309 : vector<16xi32>
          %get3A_311 = arith.index_cast %mul3A_307 : i32 to index
          %get3A_312 = tpu.vector_load %arg13[%get3A_311] {strides = array<i32>} : memref<128xf32, #tpu.memory_space<vmem>>, vector<16xf32>,
          %select_n3A_313 = arith.select %eq3A_310, %gather3A_275, %get3A_312 : vector<16xi1>, vector<16xf32>
          %add3A_314 = arith.constant 1 : i32
          %add3A_315 = arith.addi %mul3A_285, %add3A_314 : i32
          %sub3A_316 = arith.subi %add3A_315, %mul3A_307 : i32
          %eq3A_317 = vector.broadcast %sub3A_316 : i32 to vector<16xi32>
          %eq3A_318 = arith.cmpi eq, %iota3A, %eq3A_317 : vector<16xi32>
          %select_n3A_319 = arith.select %eq3A_318, %gather3A_280, %select_n3A_313 : vector<16xi1>, vector<16xf32>
          %swap3A_320 = arith.index_cast %mul3A_307 : i32 to index
          %swap3A_321 = tpu.vector_load %arg13[%swap3A_320] {strides = array<i32>} : memref<128xf32, #tpu.memory_space<vmem>>, vector<16xf32>,
          tpu.vector_store %arg13[%swap3A_320], %select_n3A_319 {strides = array<i32>} : memref<128xf32, #tpu.memory_space<vmem>>, vector<16xf32>,
          %jit3A_322 = arith.constant 16 : i32
          %div3A_323 = arith.divsi %scan3A_176, %jit3A_322 : i32
          %sign3A_324 = arith.constant 0 : i32
          %sign3A_325 = arith.cmpi sgt, %scan3A_176, %sign3A_324 : i32
          %sign3A_326 = arith.extui %sign3A_325 : i1 to i32
          %sign3A_327 = arith.constant 0 : i32
          %sign3A_328 = arith.cmpi slt, %scan3A_176, %sign3A_327 : i32
          %sign3A_329 = arith.extui %sign3A_328 : i1 to i32
          %sign3A_330 = arith.subi %sign3A_326, %sign3A_329 : i32
          %sign3A_331 = arith.constant 0 : i32
          %sign3A_332 = arith.cmpi sgt, %jit3A_322, %sign3A_331 : i32
          %sign3A_333 = arith.extui %sign3A_332 : i1 to i32
          %sign3A_334 = arith.constant 0 : i32
          %sign3A_335 = arith.cmpi slt, %jit3A_322, %sign3A_334 : i32
          %sign3A_336 = arith.extui %sign3A_335 : i1 to i32
          %sign3A_337 = arith.subi %sign3A_333, %sign3A_336 : i32
          %ne3A_338 = arith.cmpi ne, %sign3A_330, %sign3A_337 : i32
          %rem3A_339 = arith.remsi %scan3A_176, %jit3A_322 : i32
          %ne3A_340 = arith.constant 0 : i32
          %ne3A_341 = arith.cmpi ne, %rem3A_339, %ne3A_340 : i32
          %and3A_342 = arith.andi %ne3A_338, %ne3A_341 : i1
          %sub3A_343 = arith.constant 1 : i32
          %sub3A_344 = arith.subi %div3A_323, %sub3A_343 : i32
          %select_n3A_345 = arith.select %and3A_342, %sub3A_344, %div3A_323 : i32
          %mul3A_346 = arith.constant 16 : i32
          %mul3A_347 = arith.muli %select_n3A_345, %mul3A_346 : i32
          %sub3A_348 = arith.subi %scan3A_176, %mul3A_347 : i32
          %eq3A_349 = vector.broadcast %sub3A_348 : i32 to vector<16xi32>
          %eq3A_350 = arith.cmpi eq, %iota3A, %eq3A_349 : vector<16xi32>
          %get3A_351 = arith.index_cast %mul3A_347 : i32 to index
          %get3A_352 = tpu.vector_load %arg14[%get3A_351] {strides = array<i32>} : memref<64xf32, #tpu.memory_space<vmem>>, vector<16xf32>,
          %select_n3A_353 = arith.select %eq3A_350, %gather3A_283, %get3A_352 : vector<16xi1>, vector<16xf32>
          %swap3A_354 = arith.index_cast %mul3A_347 : i32 to index
          %swap3A_355 = tpu.vector_load %arg14[%swap3A_354] {strides = array<i32>} : memref<64xf32, #tpu.memory_space<vmem>>, vector<16xf32>,
          tpu.vector_store %arg14[%swap3A_354], %select_n3A_353 {strides = array<i32>} : memref<64xf32, #tpu.memory_space<vmem>>, vector<16xf32>,
          %sub3A_356 = arith.subf %gather3A_270, %add3A_119 : vector<16xf32>
          %mul3A_357 = vector.broadcast %scan3A_146 : f32 to vector<16xf32>
          %mul3A_358 = arith.mulf %sub3A_356, %mul3A_357 : vector<16xf32>
          %sub3A_359 = arith.constant 5.000000e-01 : f32
          %sub3A_360 = vector.broadcast %sub3A_359 : f32 to vector<16xf32>
          %sub3A_361 = arith.subf %mul3A_358, %sub3A_360 : vector<16xf32>
          %convert_element_type3A_362 = arith.fptosi %sub3A_361 : vector<16xf32> to vector<16xi32>
          %add3A_363 = arith.addf %gather3A_270, %add3A_119 : vector<16xf32>
          %mul3A_364 = vector.broadcast %scan3A_146 : f32 to vector<16xf32>
          %mul3A_365 = arith.mulf %add3A_363, %mul3A_364 : vector<16xf32>
          %convert_element_type3A_366 = arith.fptosi %mul3A_365 : vector<16xf32> to vector<16xi32>
          %slice3A = vector.extract_strided_slice %convert_element_type3A_362 {offsets = [0], sizes = [1], strides = [1]} : vector<16xi32> to vector<1xi32>
          %squeeze3A = vector.extract %slice3A[0] : i32 from vector<1xi32>
          %max3A_367 = arith.constant 0 : i32
          %max3A_368 = arith.maxsi %squeeze3A, %max3A_367 : i32
          %slice3A_369 = vector.extract_strided_slice %convert_element_type3A_366 {offsets = [0], sizes = [1], strides = [1]} : vector<16xi32> to vector<1xi32>
          %squeeze3A_370 = vector.extract %slice3A_369[0] : i32 from vector<1xi32>
          %min3A = arith.constant 127 : i32
          %min3A_371 = arith.minsi %squeeze3A_370, %min3A : i32
          %add3A_372 = arith.constant 1 : i32
          %add3A_373 = arith.addi %min3A_371, %add3A_372 : i32
          %while3A = arith.constant 0 : i32
          %while3A_374 = arith.subi %add3A_373, %max3A_368 : i32
          %while3A_375 = arith.addi %max3A_368, %while3A_374 : i32
          %while3A_376 = arith.constant 1 : i32
          %while3A_377 = arith.divsi %while3A_374, %while3A_376 : i32
          %while3A_378 = arith.muli %while3A_377, %while3A_376 : i32
          %while3A_379 = arith.addi %max3A_368, %while3A_378 : i32
          %while3A_380 = arith.constant 1 : i32
          scf.for %while3A_382 = %max3A_368 to %while3A_379 step %while3A_380  : i32 {
            %mul3A_383 = arith.constant 16 : i32
            %mul3A_384 = arith.muli %while3A_382, %mul3A_383 : i32
            %get3A_385 = arith.index_cast %mul3A_384 : i32 to index
            %get3A_386 = tpu.vector_load %arg7[%get3A_385] {strides = array<i32>} : memref<2048xf32, #tpu.memory_space<vmem>>, vector<16xf32>,
            %get3A_387 = arith.index_cast %mul3A_384 : i32 to index
            %get3A_388 = tpu.vector_load %arg8[%get3A_387] {strides = array<i32>} : memref<2048xf32, #tpu.memory_space<vmem>>, vector<16xf32>,
            %sub3A_389 = arith.subf %get3A_388, %gather3A_270 : vector<16xf32>
            %abs3A = math.absf %sub3A_389 : vector<16xf32>
            %le3A = arith.cmpf ole, %abs3A, %select_n3A : vector<16xf32>
            %jit3A_390 = arith.constant -1.000000e+00 : f32
            %broadcast_in_dim3A_391 = vector.broadcast %jit3A_390 : f32 to vector<16xf32>
            %select_n3A_392 = arith.select %le3A, %broadcast_in_dim3A_391, %get3A_386 : vector<16xi1>, vector<16xf32>
            %swap3A_393 = arith.index_cast %mul3A_384 : i32 to index
            %swap3A_394 = tpu.vector_load %arg7[%swap3A_393] {strides = array<i32>} : memref<2048xf32, #tpu.memory_space<vmem>>, vector<16xf32>,
            tpu.vector_store %arg7[%swap3A_393], %select_n3A_392 {strides = array<i32>} : memref<2048xf32, #tpu.memory_space<vmem>>, vector<16xf32>,
            %reduce_max3A_395 = arith.constant true
            %reduce_max3A_396 = vector.broadcast %reduce_max3A_395 : i1 to vector<16xi1>
            %reduce_max3A_397 = tpu.scan <max>, %select_n3A_392 masked %reduce_max3A_396 : vector<16xf32>, vector<16xi1> -> vector<16xf32>
            %reduce_max3A_398 = vector.extract %reduce_max3A_397[15] : f32 from vector<16xf32>
            %jit3A_399 = arith.constant 16 : i32
            %div3A_400 = arith.divsi %while3A_382, %jit3A_399 : i32
            %sign3A_401 = arith.constant 0 : i32
            %sign3A_402 = arith.cmpi sgt, %while3A_382, %sign3A_401 : i32
            %sign3A_403 = arith.extui %sign3A_402 : i1 to i32
            %sign3A_404 = arith.constant 0 : i32
            %sign3A_405 = arith.cmpi slt, %while3A_382, %sign3A_404 : i32
            %sign3A_406 = arith.extui %sign3A_405 : i1 to i32
            %sign3A_407 = arith.subi %sign3A_403, %sign3A_406 : i32
            %sign3A_408 = arith.constant 0 : i32
            %sign3A_409 = arith.cmpi sgt, %jit3A_399, %sign3A_408 : i32
            %sign3A_410 = arith.extui %sign3A_409 : i1 to i32
            %sign3A_411 = arith.constant 0 : i32
            %sign3A_412 = arith.cmpi slt, %jit3A_399, %sign3A_411 : i32
            %sign3A_413 = arith.extui %sign3A_412 : i1 to i32
            %sign3A_414 = arith.subi %sign3A_410, %sign3A_413 : i32
            %ne3A_415 = arith.cmpi ne, %sign3A_407, %sign3A_414 : i32
            %rem3A_416 = arith.remsi %while3A_382, %jit3A_399 : i32
            %ne3A_417 = arith.constant 0 : i32
            %ne3A_418 = arith.cmpi ne, %rem3A_416, %ne3A_417 : i32
            %and3A_419 = arith.andi %ne3A_415, %ne3A_418 : i1
            %sub3A_420 = arith.constant 1 : i32
            %sub3A_421 = arith.subi %div3A_400, %sub3A_420 : i32
            %select_n3A_422 = arith.select %and3A_419, %sub3A_421, %div3A_400 : i32
            %mul3A_423 = arith.constant 16 : i32
            %mul3A_424 = arith.muli %select_n3A_422, %mul3A_423 : i32
            %sub3A_425 = arith.subi %while3A_382, %mul3A_424 : i32
            %eq3A_426 = vector.broadcast %sub3A_425 : i32 to vector<16xi32>
            %eq3A_427 = arith.cmpi eq, %iota3A, %eq3A_426 : vector<16xi32>
            %get3A_428 = arith.index_cast %mul3A_424 : i32 to index
            %get3A_429 = tpu.vector_load %arg12[%get3A_428] {strides = array<i32>} : memref<128xf32, #tpu.memory_space<vmem>>, vector<16xf32>,
            %broadcast_in_dim3A_430 = vector.broadcast %reduce_max3A_398 : f32 to vector<16xf32>
            %select_n3A_431 = arith.select %eq3A_427, %broadcast_in_dim3A_430, %get3A_429 : vector<16xi1>, vector<16xf32>
            %swap3A_432 = arith.index_cast %mul3A_424 : i32 to index
            %swap3A_433 = tpu.vector_load %arg12[%swap3A_432] {strides = array<i32>} : memref<128xf32, #tpu.memory_space<vmem>>, vector<16xf32>,
            tpu.vector_store %arg12[%swap3A_432], %select_n3A_431 {strides = array<i32>} : memref<128xf32, #tpu.memory_space<vmem>>, vector<16xf32>,
          }
          %while3A_381 = arith.constant 1 : i32
          scf.for %while3A_382 = %while3A_379 to %while3A_375 step %while3A_381  : i32 {
            %mul3A_383 = arith.constant 16 : i32
            %mul3A_384 = arith.muli %while3A_382, %mul3A_383 : i32
            %get3A_385 = arith.index_cast %mul3A_384 : i32 to index
            %get3A_386 = tpu.vector_load %arg7[%get3A_385] {strides = array<i32>} : memref<2048xf32, #tpu.memory_space<vmem>>, vector<16xf32>,
            %get3A_387 = arith.index_cast %mul3A_384 : i32 to index
            %get3A_388 = tpu.vector_load %arg8[%get3A_387] {strides = array<i32>} : memref<2048xf32, #tpu.memory_space<vmem>>, vector<16xf32>,
            %sub3A_389 = arith.subf %get3A_388, %gather3A_270 : vector<16xf32>
            %abs3A = math.absf %sub3A_389 : vector<16xf32>
            %le3A = arith.cmpf ole, %abs3A, %select_n3A : vector<16xf32>
            %jit3A_390 = arith.constant -1.000000e+00 : f32
            %broadcast_in_dim3A_391 = vector.broadcast %jit3A_390 : f32 to vector<16xf32>
            %select_n3A_392 = arith.select %le3A, %broadcast_in_dim3A_391, %get3A_386 : vector<16xi1>, vector<16xf32>
            %swap3A_393 = arith.index_cast %mul3A_384 : i32 to index
            %swap3A_394 = tpu.vector_load %arg7[%swap3A_393] {strides = array<i32>} : memref<2048xf32, #tpu.memory_space<vmem>>, vector<16xf32>,
            tpu.vector_store %arg7[%swap3A_393], %select_n3A_392 {strides = array<i32>} : memref<2048xf32, #tpu.memory_space<vmem>>, vector<16xf32>,
            %reduce_max3A_395 = arith.constant true
            %reduce_max3A_396 = vector.broadcast %reduce_max3A_395 : i1 to vector<16xi1>
            %reduce_max3A_397 = tpu.scan <max>, %select_n3A_392 masked %reduce_max3A_396 : vector<16xf32>, vector<16xi1> -> vector<16xf32>
            %reduce_max3A_398 = vector.extract %reduce_max3A_397[15] : f32 from vector<16xf32>
            %jit3A_399 = arith.constant 16 : i32
            %div3A_400 = arith.divsi %while3A_382, %jit3A_399 : i32
            %sign3A_401 = arith.constant 0 : i32
            %sign3A_402 = arith.cmpi sgt, %while3A_382, %sign3A_401 : i32
            %sign3A_403 = arith.extui %sign3A_402 : i1 to i32
            %sign3A_404 = arith.constant 0 : i32
            %sign3A_405 = arith.cmpi slt, %while3A_382, %sign3A_404 : i32
            %sign3A_406 = arith.extui %sign3A_405 : i1 to i32
            %sign3A_407 = arith.subi %sign3A_403, %sign3A_406 : i32
            %sign3A_408 = arith.constant 0 : i32
            %sign3A_409 = arith.cmpi sgt, %jit3A_399, %sign3A_408 : i32
            %sign3A_410 = arith.extui %sign3A_409 : i1 to i32
            %sign3A_411 = arith.constant 0 : i32
            %sign3A_412 = arith.cmpi slt, %jit3A_399, %sign3A_411 : i32
            %sign3A_413 = arith.extui %sign3A_412 : i1 to i32
            %sign3A_414 = arith.subi %sign3A_410, %sign3A_413 : i32
            %ne3A_415 = arith.cmpi ne, %sign3A_407, %sign3A_414 : i32
            %rem3A_416 = arith.remsi %while3A_382, %jit3A_399 : i32
            %ne3A_417 = arith.constant 0 : i32
            %ne3A_418 = arith.cmpi ne, %rem3A_416, %ne3A_417 : i32
            %and3A_419 = arith.andi %ne3A_415, %ne3A_418 : i1
            %sub3A_420 = arith.constant 1 : i32
            %sub3A_421 = arith.subi %div3A_400, %sub3A_420 : i32
            %select_n3A_422 = arith.select %and3A_419, %sub3A_421, %div3A_400 : i32
            %mul3A_423 = arith.constant 16 : i32
            %mul3A_424 = arith.muli %select_n3A_422, %mul3A_423 : i32
            %sub3A_425 = arith.subi %while3A_382, %mul3A_424 : i32
            %eq3A_426 = vector.broadcast %sub3A_425 : i32 to vector<16xi32>
            %eq3A_427 = arith.cmpi eq, %iota3A, %eq3A_426 : vector<16xi32>
            %get3A_428 = arith.index_cast %mul3A_424 : i32 to index
            %get3A_429 = tpu.vector_load %arg12[%get3A_428] {strides = array<i32>} : memref<128xf32, #tpu.memory_space<vmem>>, vector<16xf32>,
            %broadcast_in_dim3A_430 = vector.broadcast %reduce_max3A_398 : f32 to vector<16xf32>
            %select_n3A_431 = arith.select %eq3A_427, %broadcast_in_dim3A_430, %get3A_429 : vector<16xi1>, vector<16xf32>
            %swap3A_432 = arith.index_cast %mul3A_424 : i32 to index
            %swap3A_433 = tpu.vector_load %arg12[%swap3A_432] {strides = array<i32>} : memref<128xf32, #tpu.memory_space<vmem>>, vector<16xf32>,
            tpu.vector_store %arg12[%swap3A_432], %select_n3A_431 {strides = array<i32>} : memref<128xf32, #tpu.memory_space<vmem>>, vector<16xf32>,
          }
        } else {
        }
      }
      %scan3A_151 = arith.constant 50 : i32
      %dma_start3A_152 = arith.constant 0 : i32
      %dma_start3A_153 = tpu.memref_slice %arg5[%add3A, %dma_start3A_152] : memref<8x128xf32, #tpu.memory_space<hbm>> -> memref<1x128xf32, #tpu.memory_space<hbm>>
      %dma_start3A_154 = tpu.memref_squeeze %dma_start3A_153 : memref<1x128xf32, #tpu.memory_space<hbm>> -> memref<128xf32, #tpu.memory_space<hbm>>
      %dma_start3A_155 = arith.constant 0 : i32
      %dma_start3A_156 = tpu.memref_slice %arg5[%add3A, %dma_start3A_155] : memref<8x128xf32, #tpu.memory_space<hbm>> -> memref<1x128xf32, #tpu.memory_space<hbm>>
      %dma_start3A_157 = tpu.memref_squeeze %dma_start3A_156 : memref<1x128xf32, #tpu.memory_space<hbm>> -> memref<128xf32, #tpu.memory_space<hbm>>
      tpu.enqueue_dma source(%arg13 : memref<128xf32, #tpu.memory_space<vmem>>) target(%dma_start3A_157 : memref<128xf32, #tpu.memory_space<hbm>>) target_semaphore(%arg15 : memref<!tpu.dma_semaphore, #tpu.memory_space<semaphore_mem>>)
      %dma_start3A_158 = arith.constant 0 : i32
      %dma_start3A_159 = tpu.memref_slice %arg6[%add3A, %dma_start3A_158] : memref<8x64xf32, #tpu.memory_space<hbm>> -> memref<1x64xf32, #tpu.memory_space<hbm>>
      %dma_start3A_160 = tpu.memref_squeeze %dma_start3A_159 : memref<1x64xf32, #tpu.memory_space<hbm>> -> memref<64xf32, #tpu.memory_space<hbm>>
      %dma_start3A_161 = arith.constant 0 : i32
      %dma_start3A_162 = tpu.memref_slice %arg6[%add3A, %dma_start3A_161] : memref<8x64xf32, #tpu.memory_space<hbm>> -> memref<1x64xf32, #tpu.memory_space<hbm>>
      %dma_start3A_163 = tpu.memref_squeeze %dma_start3A_162 : memref<1x64xf32, #tpu.memory_space<hbm>> -> memref<64xf32, #tpu.memory_space<hbm>>
      tpu.enqueue_dma source(%arg14 : memref<64xf32, #tpu.memory_space<vmem>>) target(%dma_start3A_163 : memref<64xf32, #tpu.memory_space<hbm>>) target_semaphore(%arg15 : memref<!tpu.dma_semaphore, #tpu.memory_space<semaphore_mem>>)
      %dma_wait3A_164 = arith.constant 0 : i32
      %dma_wait3A_165 = tpu.memref_slice %arg5[%add3A, %dma_wait3A_164] : memref<8x128xf32, #tpu.memory_space<hbm>> -> memref<1x128xf32, #tpu.memory_space<hbm>>
      %dma_wait3A_166 = tpu.memref_squeeze %dma_wait3A_165 : memref<1x128xf32, #tpu.memory_space<hbm>> -> memref<128xf32, #tpu.memory_space<hbm>>
      %dma_wait3A_167 = arith.constant 0 : i32
      %dma_wait3A_168 = tpu.memref_slice %arg5[%add3A, %dma_wait3A_167] : memref<8x128xf32, #tpu.memory_space<hbm>> -> memref<1x128xf32, #tpu.memory_space<hbm>>
      %dma_wait3A_169 = tpu.memref_squeeze %dma_wait3A_168 : memref<1x128xf32, #tpu.memory_space<hbm>> -> memref<128xf32, #tpu.memory_space<hbm>>
      tpu.wait_dma2 semaphore(%arg15 : memref<!tpu.dma_semaphore, #tpu.memory_space<semaphore_mem>>) src(%arg13 : memref<128xf32, #tpu.memory_space<vmem>>) dst(%dma_wait3A_169 : memref<128xf32, #tpu.memory_space<hbm>>)
      %dma_wait3A_170 = arith.constant 0 : i32
      %dma_wait3A_171 = tpu.memref_slice %arg6[%add3A, %dma_wait3A_170] : memref<8x64xf32, #tpu.memory_space<hbm>> -> memref<1x64xf32, #tpu.memory_space<hbm>>
      %dma_wait3A_172 = tpu.memref_squeeze %dma_wait3A_171 : memref<1x64xf32, #tpu.memory_space<hbm>> -> memref<64xf32, #tpu.memory_space<hbm>>
      %dma_wait3A_173 = arith.constant 0 : i32
      %dma_wait3A_174 = tpu.memref_slice %arg6[%add3A, %dma_wait3A_173] : memref<8x64xf32, #tpu.memory_space<hbm>> -> memref<1x64xf32, #tpu.memory_space<hbm>>
      %dma_wait3A_175 = tpu.memref_squeeze %dma_wait3A_174 : memref<1x64xf32, #tpu.memory_space<hbm>> -> memref<64xf32, #tpu.memory_space<hbm>>
      tpu.wait_dma2 semaphore(%arg15 : memref<!tpu.dma_semaphore, #tpu.memory_space<semaphore_mem>>) src(%arg14 : memref<64xf32, #tpu.memory_space<vmem>>) dst(%dma_wait3A_175 : memref<64xf32, #tpu.memory_space<hbm>>)
    } else {
    }
    return
  }
}

</mosaic_0001>

<sc_bundles>
// kernel: kernel.3.cloned.1.call-start
scs
__scs_entry_jumppad:
0x0: {  	(pc) =	sbr.rel $0x88, $3  }
0x1: {  	(tag) =	ssettag $0x0;
	lr =	simm.s32 $0x1  }
0x2: {  	[smem:$0x3F9E] =	sst lr;
	_ =	strace $0xD0000000  }
0x3: {  	_ = 	snop  }
0x4: {  	_ = 	snop  }
0x5: {  	_ = 	snop  }
0x6: {  	_ = 	snop  }
0x7: {  	_ = 	snop  }
__scs_overlays_trampoline_lowered:
0x8: {  	[smem:$0x3FAD] =	sst s0  }
0x9: {  	[smem:$0x3FAE] =	sst s1  }
0xa: {  	[smem:$0x3FAF] =	sst s2  }
0xb: {  	[smem:$0x3FB0] =	sst s3  }
0xc: {  	[smem:$0x3FB1] =	sst s4  }
0xd: {  	[smem:$0x3FB2] =	sst s5  }
0xe: {  	[smem:$0x3FB3] =	sst s6  }
0xf: {  	[smem:$0x3FB4] =	sst s7  }
0x10: {  	[smem:$0x3FB5] =	sst s8  }
0x11: {  	[smem:$0x3FB6] =	sst s9;
	s0 =	simm.s32 @!p0 $0x0  }
0x12: {  	s1 =	sld [smem:$0x3F9C];
	s0 =	simm.s32 @p0 $0x1  }
0x13: {  	[smem:$0x3FB7] =	sst s0;
	s0 =	simm.s32 @!p1 $0x0  }
0x14: {  	s2 =	sld [smem:$0x3F9B];
	s0 =	simm.s32 @p1 $0x1  }
0x15: {  	[smem:$0x3FB8] =	sst s0;
	s0 =	simm.s32 @!p2 $0x0  }
0x16: {  	s3 =	sld [smem:$0x3FDB];
	s0 =	simm.s32 @p2 $0x1  }
0x17: {  	s4 =	simm.s32 $0x1BF5;
	[smem:$0x3FBA] =	sst s0  }
0x18: {  	s0 =	sld [smem:$0x3F9D];
	_ =	swait.ge [sflag:s4], $0x0  }
0x19: {  	s7 =	sld [smem:$0x3F9E]  }
0x1a: {  	s8 =	sadd.s32 $0xFFFFE003, lr  }
0x1b: {  	s9 =	sadd.s32 $0xFFFFFEF7, lr;
	s5 =	simm.s32 $0xFFFFFFFF;
	p2 =	slt.u32 s8, $0xFFFFF086  }
0x1c: {  	p1 =	slt.u32 s9, $0xF7A;
	s5 =	simm.s32 @!p2 $0x0  }
0x1d: {  	s5 =	simm.s32 @p1 $0x1;
	p0 =	seq.s32 s7, s2  }
0x1e: {  	s7 =	smul.u32 @!p0 $0xF7A, s2;
	p2 =	seq.s32 @!p0 s5, $0x0  }
0x1f: {  	s9 =	smul.u32 $0xF7A, s1;
	s8 =	simm.s32 @!p0 $0x1BF5;
	p2 =	por !p2, p0  }
0x20: {  	[sflag:s8] =	ssyncset.s32 @!p0 $0xFFFFF086;
	s6 =	sadd.s32 @!p0 s3, s7;
	s7 =	simm.s32 @!p0 $0x108  }
0x21: {  	s3 =	sadd.s32 s3, s9;
	s6 =	sadd.s32 @!p0 $0x88, s6;
	s7 =	simm.s32 @p2 $0x1082  }
0x22: {  	[simem:s7], [sflag:s8] =	dma.local @!p0 [hbm:s6], $0xF7A  }
0x23: {  	s9 =	sor.u32 $0xD0000000, s2;
	s6 =	simm.s32 $0x108;
	_ =	swait.ge @!p0 [sflag:s8], $0x0  }
0x24: {  	s3 =	sadd.s32 $0x88, s3;
	s6 =	simm.s32 @!p1 $0x1082;
	[sflag:s4] =	ssyncset.s32 $0xFFFFF086  }
0x25: {  	[simem:s6], [sflag:s4] =	dma.local [hbm:s3], $0xF7A  }
0x26: {  	[smem:$0x3F9E] =	sst s1;
	(tag) =	ssettag s2;
	_ =	strace s9  }
0x27: {  	s1 =	sld [smem:$0x3FAE]  }
0x28: {  	s2 =	sld [smem:$0x3FAF]  }
0x29: {  	s4 =	sld [smem:$0x3FB1]  }
0x2a: {  	p0 =	seq.s32 s5, $0x0;
	s5 =	sld [smem:$0x3FB2]  }
0x2b: {  	s6 =	sld [smem:$0x3FB3]  }
0x2c: {  	s7 =	sld [smem:$0x3FB4]  }
0x2d: {  	s3 =	simm.s32 $0x108;
	s8 =	sld [smem:$0x3FB5]  }
0x2e: {  	s3 =	simm.s32 @!p0 $0x1082;
	s9 =	sld [smem:$0x3FB6]  }
0x2f: {  	lr =	sadd.s32 s0, s3;
	s0 =	sld [smem:$0x3FAD]  }
0x30: {  	s3 =	sld [smem:$0x3FB0]  }
0x31: {  	[smem:$0x3FB9] =	sst s10  }
0x32: {  	s10 =	sld [smem:$0x3FB7];
	_ =	sdelay $0x3  }
0x33: {  	p0 =	seq.s32 s10, $0x1;
	s10 =	sld [smem:$0x3FB9];
	_ =	sdelay $0x3  }
0x34: {  	[smem:$0x3FB9] =	sst s10  }
0x35: {  	s10 =	sld [smem:$0x3FB8];
	_ =	sdelay $0x3  }
0x36: {  	p1 =	seq.s32 s10, $0x1;
	s10 =	sld [smem:$0x3FB9];
	_ =	sdelay $0x3  }
0x37: {  	[smem:$0x3FB9] =	sst s10  }
0x38: {  	s10 =	sld [smem:$0x3FBA]  }
0x39: {  	_ = 	snop;
	(pc) =	sbr.ind lr, $3  }
0x3a: {  	_ = 	snop  }
0x3b: {  	_ = 	snop  }
0x3c: {  	p2 =	seq.s32 s10, $0x1;
	s10 =	sld [smem:$0x3FB9]  }
0x3d: {  	_ =	shalt  }
0x3e: {  	_ =	shalt  }
0x3f: {  	_ =	shalt  }
0x40: {  	_ =	shalt  }
0x41: {  	_ =	shalt  }
0x42: {  	_ =	shalt  }
0x43: {  	_ =	shalt  }
0x44: {  	_ =	shalt  }
0x45: {  	_ =	shalt  }
0x46: {  	_ =	shalt  }
0x47: {  	_ =	shalt  }
0x48: {  	_ =	shalt  }
0x49: {  	_ =	shalt  }
0x4a: {  	_ =	shalt  }
0x4b: {  	_ =	shalt  }
0x4c: {  	_ =	shalt  }
0x4d: {  	_ =	shalt  }
0x4e: {  	_ =	shalt  }
0x4f: {  	_ =	shalt  }
0x50: {  	_ =	shalt  }
0x51: {  	_ =	shalt  }
0x52: {  	_ =	shalt  }
0x53: {  	_ =	shalt  }
0x54: {  	_ =	shalt  }
0x55: {  	_ =	shalt  }
0x56: {  	_ =	shalt  }
0x57: {  	_ =	shalt  }
0x58: {  	_ =	shalt  }
0x59: {  	_ =	shalt  }
0x5a: {  	_ =	shalt  }
0x5b: {  	_ =	shalt  }
0x5c: {  	_ =	shalt  }
0x5d: {  	_ =	shalt  }
0x5e: {  	_ =	shalt  }
0x5f: {  	_ =	shalt  }
0x60: {  	_ =	shalt  }
0x61: {  	_ =	shalt  }
0x62: {  	_ =	shalt  }
0x63: {  	_ =	shalt  }
0x64: {  	_ =	shalt  }
0x65: {  	_ =	shalt  }
0x66: {  	_ =	shalt  }
0x67: {  	_ =	shalt  }
0x68: {  	_ =	shalt  }
0x69: {  	_ =	shalt  }
0x6a: {  	_ =	shalt  }
0x6b: {  	_ =	shalt  }
0x6c: {  	_ =	shalt  }
0x6d: {  	_ =	shalt  }
0x6e: {  	_ =	shalt  }
0x6f: {  	_ =	shalt  }
0x70: {  	_ =	shalt  }
0x71: {  	_ =	shalt  }
0x72: {  	_ =	shalt  }
0x73: {  	_ =	shalt  }
0x74: {  	_ =	shalt  }
0x75: {  	_ =	shalt  }
0x76: {  	_ =	shalt  }
0x77: {  	_ =	shalt  }
0x78: {  	_ =	shalt  }
0x79: {  	_ =	shalt  }
0x7a: {  	_ =	shalt  }
0x7b: {  	_ =	shalt  }
0x7c: {  	_ =	shalt  }
0x7d: {  	_ =	shalt  }
0x7e: {  	_ =	shalt  }
0x7f: {  	_ =	shalt  }
0x80: {  	_ =	shalt  }
0x81: {  	_ =	shalt  }
0x82: {  	_ =	shalt  }
0x83: {  	_ =	shalt  }
0x84: {  	_ =	shalt  }
0x85: {  	_ =	shalt  }
0x86: {  	_ =	shalt  }
0x87: {  	_ =	shalt  }
.Lfunc_end0:
.L_simem_size_0:
called_computation_lowered:
.L_overlay_start_0:
0x88: {  	s0 =	sld [smem:$0x3FD9]  }
0x89: {  	s1 =	sld [smem:$0x3FFE];
	_ =	sdelay $0x3  }
0x8a: {  	s0 =	sadd.s32 s1, s0  }
0x8b: {  	[smem:$0x3FC5] =	sst s0  }
0x8c: {  	_ = 	snop  }
0x8d: {  	s0 =	sld [smem:$0x3FD0];
	_ =	sdelay $0x2  }
0x8e: {  	s2 =	simm.s32 $0xA;
	s3 =	simm.s32 $0x10;
	s13 =	sld [smem:$0x3FC9]  }
0x8f: {  	[smem:s3], [sflag:s2] =	dma.local [hbm:s0], $0x1  }
0x90: {  	_ =	swait.eq [sflag:s2], $0x1  }
0x91: {  	[sflag:s2] =	ssyncset.done $0x0  }
0x92: {  	s14 =	sld [smem:$0x10];
	[sflag:s2] =	ssyncadd.s32 $0xFFFFFFFF  }
0x93: {  	s15 =	sld [smem:$0x11];
	(tm) =	ssettm $0x1  }
0x94: {  	s16 =	sld [smem:$0x3FFB];
	_ =	sdelay $0x3  }
0x95: {  	_ =	strace s16  }
0x96: {  	s3 =	sld [smem:$0x3FFC];
	_ =	sdelay $0x3  }
0x97: {  	_ =	strace s3  }
0x98: {  	s3 =	sld [smem:$0x3FFD];
	_ =	sdelay $0x3  }
0x99: {  	_ =	strace s3  }
0x9a: {  	_ =	strace $0x8FFFFFFF  }
0x9b: {  	s17 =	sld [smem:$0x3FDB];
	_ =	sdelay $0x1  }
0x9c: {  	s4 =	simm.s32 $_scs_section_size  }
0x9d: {  	s5 =	simm.s32 $_size__tile_overlayer_lowered;
	s6 =	simm.s32 $_tile_overlayer_lowered  }
0x9e: {  	s20 =	simm.s32 $0x1BFF;
	s19 =	sshll.u32 s6, $0x1;
	s3 =	sadd.s32 s4, s17  }
0x9f: {  	s7 =	simm.s32 $0x0;
	s18 =	sshll.u32 s5, $0x1;
	s5 =	sadd.s32 s19, s3  }
0xa0: {  	[timem:s7], [sflag:s20] =	dma.local [hbm:s5], s18  }
0xa1: {  	_ =	swait.ge [sflag:s20], s18  }
0xa2: {  	s4 =	ssub.s32 $0x0, s18;
	[sflag:s20] =	ssyncset.done $0x0  }
0xa3: {  	[sflag:s20] =	ssyncadd.s32 s4;
	_ =	sdelay $0x1  }
0xa4: {  	s21 =	simm.s32 $0x1B8B  }
0xa5: {  	_ =	swait.ge [sflag:s21], $0x1  }
0xa6: {  	[sflag:s21] =	ssyncset.done $0x0  }
0xa7: {  	s23 =	simm.s32 $0x1B8E;
	s22 =	sld [smem:$0x3FFE];
	[sflag:s21] =	ssyncadd.s32 $0xFFFFFFFF  }
0xa8: {  	s24 =	simm.s32 $execute0_lowered;
	[smem:$0x3FD2] =	sst s23  }
0xa9: {  	s5 =	sshll.u32 s24, $0x1;
	_ =	strace $0x80000046;
	[dreg:$0x1] =	wrdreg $0xFFFFFFFF  }
0xaa: {  	s25 =	simm.s32 $_size_execute0_lowered;
	s3 =	sadd.s32 s3, s5;
	[dreg:$0x0] =	wrdreg $0x0  }
0xab: {  	s5 =	sshll.u32 s25, $0x1;
	[dreg:$0x2] =	wrdreg s3  }
0xac: {  	[dreg:$0x3] =	wrdreg s5  }
0xad: {  	[dreg:$0x4] =	wrdreg $0xC0  }
0xae: {  	_ =	task [dreg:s7], $0x5FFFF  }
0xaf: {  	[dreg:$0x1] =	wrdreg $0xFFFFFFFF  }
0xb0: {  	[dreg:$0x0] =	wrdreg $0x60  }
0xb1: {  	[dreg:$0x2] =	wrdreg s13  }
0xb2: {  	[dreg:$0x3] =	wrdreg s22  }
0xb3: {  	[dreg:$0x4] =	wrdreg s14  }
0xb4: {  	[dreg:$0x5] =	wrdreg s15  }
0xb5: {  	[dreg:$0x6] =	wrdreg $0x9  }
0xb6: {  	_ =	task.clear_ibuf [dreg:s7], $0x7FFFF;
	_ =	strace $0x90000046  }
0xb7: {  	s26 =	simm.s32 $0x9;
	_ =	strace $0x80000048  }
0xb8: {  	_ =	swait.ge [sflag:s26], $0x1  }
0xb9: {  	[sflag:s26] =	ssyncadd.s32 $0xFFFFFFFF  }
0xba: {  	_ =	strace $0x90000048  }
0xbb: {  	_ =	sfence  }
0xbc: {  	s28 =	sld [smem:$0x0];
	_ =	sdelay $0x1  }
0xbd: {  	s29 =	srdreg.scid  }
0xbe: {  	s30 =	sshll.u32 s29, $0xD;
	s31 =	sshrl.u32 s29, $0x2  }
0xbf: {  	s1 =	sand.u32 $0x1, s29;
	s2 =	sand.u32 $0x4000, s30;
	s0 =	sadd.s32 s31, s28  }
0xc0: {  	s1 =	sor.u32 s2, s1;
	s0 =	sshll.u32 s0, $0x11  }
0xc1: {  	s0 =	sor.u32 s0, s1  }
0xc2: {  	s0 =	sadd.s32 $0x8F2B, s0  }
0xc3: {  	[sflag:s0] =	ssyncadd.remote.s32 $0x1  }
0xc4: {  	_ =	sfence.sel $0xFFFF  }
0xc5: {  	[dreg:$0x0] =	wrdreg $0xFFFFFFFF;
	(pc) =	sbr.abs _section_cstart, $3  }
0xc6: {  	[dreg:$0x1] =	wrdreg $0xFFFFFFFF  }
0xc7: {  	_ =	task.clear_ibuf [dreg:s7], $0x2FFFF;
	_ =	strace $0x9FFFFFFF  }
0xc8: {  	(tm) =	ssettm $0x7FFFFFFF  }
0xc9: {  	_ =	shalt  }
tec
execute0_lowered:
.L_overlay_start_1:
0x0: {  	(tag) =	ssettag $0x1  }
0x1: {  	s1 =	stileid.u32  }
0x2: {  	s3 =	rddreg [dreg:$0x0];
	p0 =	sgt.u32 s1, $0x7  }
.Ltmp0:
0x3: {  	s6 =	rddreg [dreg:$0x1];
	(pc) =	sbr.rel @p0 .LBB2_9-.Ltmp0, $4  }
0x4: {  	s2 =	rddreg [dreg:$0x2]  }
0x5: {  	s5 =	rddreg [dreg:$0x3];
	s4 =	simm.s32 $0x0  }
0x6: {  	[smem:$0x7FF] =	sst s4  }
0x7: {  	s0 =	rddreg [dreg:$0x4];
	_ =	strace $0x80000047  }
0x8: {  	s7 =	sadd.s32 $0x800, s6  }
0x9: {  	s8 =	sadd.s32 $0x1800, s6;
	s20 =	sshll.u32 s1, $0x4;
	s9 =	simm.s32 $0x2000  }
0xa: {  	[tilespmem:s9], [sflag:$0x1] =	stream.linear.gather [hbm4b:s8+s4], $0x80, $0x38;
	[tilespmem:$0x2200] =	vst v63  }
0xb: {  	s21 =	simm.s32 $0x80;
	s22 =	simm.s32 $0x400;
	s3 =	sadd.s32 s3, s20  }
0xc: {  	[tilespmem:s4], [sflag:$0x1] =	stream.strided.gather [hbm4b:s3+s21], $0x800, s22, s21, $0x38;
	[tilespmem:$0x2200] =	vst v63  }
0xd: {  	s24 =	simm.s32 $0x1000;
	s23 =	sadd.s32 s7, s20  }
0xe: {  	[tilespmem:s24], [sflag:$0x1] =	stream.strided.gather [hbm4b:s23+s21], $0x800, s22, s21, $0x38;
	[tilespmem:$0x2200] =	vst v63  }
0xf: {  	s25 =	simm.s32 $0x1800;
	s26 =	simm.s32 $0x1;
	s3 =	sadd.s32 $0x800, s23  }
0x10: {  	[tilespmem:s25], [sflag:$0x1] =	stream.strided.gather [hbm4b:s3+s21], $0x800, s22, s21, $0x38;
	[tilespmem:$0x2200] =	vst v63  }
0x11: {  	_ =	swait.ge [sflag:s26], $0x80  }
0x12: {  	[sflag:s26] =	ssyncset.done $0x0  }
0x13: {  	[sflag:s26] =	ssyncadd.s32 $0xFFFFFF80  }
0x14: {  	_ =	swait.ge [sflag:s26], $0x800  }
0x15: {  	[sflag:s26] =	ssyncset.done $0x0  }
0x16: {  	[sflag:s26] =	ssyncadd.s32 $0xFFFFF800  }
0x17: {  	_ =	swait.ge [sflag:s26], $0x800  }
0x18: {  	[sflag:s26] =	ssyncset.done $0x0  }
0x19: {  	[sflag:s26] =	ssyncadd.s32 $0xFFFFF800  }
0x1a: {  	_ =	swait.ge [sflag:s26], $0x800  }
0x1b: {  	[sflag:s26] =	ssyncset.done $0x0  }
0x1c: {  	s28 =	simm.s32 $0x0;
	[sflag:s26] =	ssyncadd.s32 $0xFFFFF800  }
0x1d: {  	v0 =	vld [tilespmem:s28+$0x0]  }
0x1e: {  	v1 =	vld [tilespmem:s28+$0x10];
	_ =	sdelay $0x3  }
0x1f: {  	v0 =	vsub.f32 $0.0e+00, v0  }
0x20: {  	v1 =	vsub.f32 $0.0e+00, v1  }
0x21: {  	v0 =	vmul.f32 $1.442695020e+00, v0  }
0x22: {  	v1 =	vmul.f32 $1.442695020e+00, v1  }
0x23: {  	(erf) = vpow2.f32 v0  }
0x24: {  	v4 =	vld [tilespmem:s28+$0x1000];
	(erf) = vpow2.f32 v1  }
0x25: {  	s29 =	simm.s32 $0x0;
	v5 =	vld [tilespmem:s28+$0x1810];
	v0 =	vlaneseq.u32  }
0x26: {  	v1 =	vld [tilespmem:s28+$0x1800];
	v2 =	vor.u32 s29, v0  }
0x27: {  	s30 =	simm.s32 $0x10;
	v8 =	vld [tilespmem:s28+$0x1010];
	v2 =	vcvt.s32.f32 v2  }
0x28: {  	v6 =	vor.u32 s30, v0  }
0x29: {  	v6 =	vcvt.s32.f32 v6;
	v2 =	vadd.f32 $5.000000000e-01, v2  }
0x2a: {  	v3 =	vimm.s32 $0x0;
	v7 =	vimm.f32 $-Inf;
	v4 =	vmul.f32 $1.600000000e+01, v4  }
0x2b: {  	v6 =	vadd.f32 $5.000000000e-01, v6;
	v10 =	vmul.f32 $1.600000000e+01, v1;
	v2 =	vmul.f32 $1.600000000e+01, v2  }
0x2c: {  	v9 =	vimm.f32 $+Inf;
	v15 =	vmul.f32 $1.600000000e+01, v5;
	v8 =	vmul.f32 $1.600000000e+01, v8;
	v1 =	vpop (erf)  }
0x2d: {  	v6 =	vmul.f32 $1.600000000e+01, v6;
	v14 =	vadd.f32 v10, v2;
	v12 =	vadd.f32 $1.000000000e+00, v1;
	v1 =	vld [tilespmem:$0x2000];
	v13 =	vpop (erf)  }
0x2e: {  	v11 =	vimm.f32 $0.0e+00;
	v2 =	vadd.f32 v4, v2;
	v13 =	vadd.f32 $1.000000000e+00, v13  }
0x2f: {  	v55 =	vand.u32 $0x7FFFFFFF, v15;
	v54 =	vadd.f32 v8, v6;
	(erf) = vrcp.f32 v12  }
0x30: {  	v4 =	vand.u32 $0x7FFFFFFF, v4;
	vm1 =	vlt.f32 v2, $0.0e+00;
	(erf) = vrcp.f32 v13  }
0x31: {  	v6 =	vadd.f32 v15, v6;
	vm0 =	vlt.f32 v14, $0.0e+00;
	v2 =	vsel vm1, $0x0, v2  }
0x32: {  	vm2 =	vlt.f32 v54, $0.0e+00;
	v53 =	vsel vm0, $0x0, v14;
	vm0 =	vgt.f32 v2, v1  }
0x33: {  	vm1 =	vgt.f32 v53, v1;
	v2 =	vsel vm0, v1, v2;
	vm0 =	vlt.f32 v6, $0.0e+00  }
0x34: {  	v13 =	vsel vm2, $0x0, v54;
	v12 =	vsel vm1, v1, v53;
	v6 =	vsel vm0, $0x0, v6  }
0x35: {  	[tilespmem:s28+$0x1000] =	vst v2;
	vm0 =	vgt.f32 v13, v1;
	v2 =	vadd.f32 v12, v2;
	vm1 =	vgt.f32 v6, v1  }
0x36: {  	s31 =	sand.u32 $0xFFFFFFF0, s4;
	v8 =	vand.u32 $0x7FFFFFFF, v8;
	v56 =	vsel vm0, v1, v13;
	v6 =	vsel vm1, v1, v6  }
0x37: {  	s3 =	ssub.s32 $0x1, s31;
	v10 =	vand.u32 $0x7FFFFFFF, v10;
	[tilespmem:s28+$0x1800] =	vst v12;
	v2 =	vmul.f32 $5.000000000e-01, v2;
	v58 =	vadd.f32 v6, v56  }
0x38: {  	v5 =	vmov s3;
	v8 =	vmax.f32 v8, v55;
	v4 =	vmax.f32 v4, v10;
	[tilespmem:s28+$0x1010] =	vst v56;
	v57 =	vpop (erf)  }
0x39: {  	[tilespmem:s28+$0x1810] =	vst v6;
	v60 =	vmin.f32 v9, v2;
	vm1 =	vge.f32 v57, $6.999999880e-01;
	v6 =	vpop (erf);
	v59 =	vmul.f32 $5.000000000e-01, v58  }
0x3a: {  	[tilespmem:s28+$0x800] =	vst v2;
	v10 =	vnsel vm1, $0xBF800000, v57;
	vm0 =	vge.f32 v6, $6.999999880e-01;
	v4 =	vnsel vm1, $0x0, v4  }
0x3b: {  	v61 =	vsel vm1, $0x1, v3;
	[tilespmem:s28+$0x0] =	vst v10;
	v6 =	vnsel vm0, $0xBF800000, v6;
	(xrf0) =	vmax.scan.msk.f32 $0xffff, v10  }
0x3c: {  	v10 =	vmax.f32 v7, v2;
	v62 =	vsel vm0, $0x1, v3;
	v63 =	vnsel vm0, $0x0, v8;
	(xrf0) =	vmax.scan.msk.f32 $0xffff, v6  }
0x3d: {  	s12 =	simm.s32 $0x100;
	s11 =	sand.u32 $0x70, s4;
	s6 =	simm.s32 $0x30;
	[tilespmem:s28+$0x810] =	vst v59;
	v2 =	vadd.s32 v61, v3;
	v11 =	vmax.f32 v11, v4;
	v10 =	vsel vm1, v10, v7  }
0x3e: {  	s7 =	simm.s32 $0x80;
	s8 =	sand.u32 $0xE, s4;
	s4 =	simm.s32 $0x2;
	[tilespmem:s28+$0x10] =	vst v6;
	v7 =	vsel vm1, v60, v9;
	v6 =	vadd.s32 v62, v2;
	v9 =	vmax.f32 v10, v59  }
0x3f: {  	s3 =	sadd.s32 s2, s20;
	s2 =	sadd.s32 s5, s20;
	s5 =	simm.s32 $0x3;
	v2 =	vmax.f32 v11, v63;
	v8 =	vmin.f32 v7, v59;
	v4 =	vsel vm0, v9, v10;
	v9 =	vld [tilespmem:s11+$0x2080]  }
.LBB2_2:
0x40: {  	s13 =	sand.u32 $0xFFFFFFF0, s4  }
0x41: {  	s10 =	sshra.s32 s7, $0x2;
	v10, _, _ =	vpop (xrf0);
	s7 =	smov.u32 s12;
	s9 =	sadd.s32 $0x80, s12  }
0x42: {  	p0 =	sne.s32 s12, $0x1F80;
	v11 =	vmov s8;
	s8 =	sand.u32 $0xE, s4;
	s12 =	ssub.s32 s5, s13;
	v10 =	vbroadcast v10, $0xF;
	v12, _, _ =	vpop (xrf0)  }
0x43: {  	vm1 =	veq.s32 v11, v0;
	v13 =	vmov s12;
	v11 =	vbroadcast v12, $0xF  }
0x44: {  	v9 =	vsel vm1, v10, v9;
	vm1 =	veq.s32 v5, v0;
	v5 =	vmov v13  }
0x45: {  	v9 =	vsel vm1, v11, v9  }
0x46: {  	v7 =	vsel vm0, v8, v7;
	[tilespmem:s11+$0x2080] =	vst v9  }
0x47: {  	v8 =	vld [tilespmem:s10+$0x0]  }
0x48: {  	v9 =	vld [tilespmem:s10+$0x10];
	_ =	sdelay $0x3  }
0x49: {  	v8 =	vsub.f32 $0.0e+00, v8  }
0x4a: {  	v9 =	vsub.f32 $0.0e+00, v9  }
0x4b: {  	v8 =	vmul.f32 $1.442695020e+00, v8  }
0x4c: {  	v9 =	vmul.f32 $1.442695020e+00, v9  }
0x4d: {  	(erf) = vpow2.f32 v8  }
0x4e: {  	(erf) = vpow2.f32 v9;
	_ =	sdelay $0x1  }
0x4f: {  	s11 =	sadd.s32 $0xFFFFFFF0, s6  }
0x50: {  	v9 =	vor.u32 s11, v0;
	v8 =	vld [tilespmem:s10+$0x1800]  }
0x51: {  	v9 =	vcvt.s32.f32 v9;
	v10 =	vld [tilespmem:s10+$0x1000]  }
0x52: {  	v12 =	vor.u32 s6, v0;
	v11 =	vld [tilespmem:s10+$0x1810]  }
0x53: {  	v12 =	vcvt.s32.f32 v12;
	v9 =	vadd.f32 $5.000000000e-01, v9;
	v13 =	vld [tilespmem:s10+$0x1010];
	_ =	sdelay $0x1  }
0x54: {  	v9 =	vmul.f32 $1.600000000e+01, v9;
	v8 =	vmul.f32 $1.600000000e+01, v8;
	v14 =	vpop (erf)  }
0x55: {  	v12 =	vadd.f32 $5.000000000e-01, v12;
	v10 =	vmul.f32 $1.600000000e+01, v10;
	v14 =	vadd.f32 $1.000000000e+00, v14;
	v15 =	vpop (erf)  }
0x56: {  	v16 =	vadd.f32 v8, v9;
	v11 =	vmul.f32 $1.600000000e+01, v11;
	v15 =	vadd.f32 $1.000000000e+00, v15  }
0x57: {  	v9 =	vadd.f32 v10, v9;
	v13 =	vmul.f32 $1.600000000e+01, v13;
	(erf) = vrcp.f32 v14  }
0x58: {  	v12 =	vmul.f32 $1.600000000e+01, v12;
	vm0 =	vlt.f32 v16, $0.0e+00;
	(erf) = vrcp.f32 v15  }
0x59: {  	v10 =	vand.u32 $0x7FFFFFFF, v10;
	vm1 =	vlt.f32 v9, $0.0e+00;
	v14 =	vsel vm0, $0x0, v16  }
0x5a: {  	v15 =	vadd.f32 v13, v12;
	v12 =	vadd.f32 v11, v12;
	v9 =	vsel vm1, $0x0, v9  }
0x5b: {  	v13 =	vand.u32 $0x7FFFFFFF, v13;
	vm1 =	vgt.f32 v14, v1;
	vm0 =	vgt.f32 v9, v1  }
0x5c: {  	vm2 =	vlt.f32 v12, $0.0e+00;
	v9 =	vsel vm0, v1, v9;
	vm0 =	vlt.f32 v15, $0.0e+00  }
0x5d: {  	v11 =	vand.u32 $0x7FFFFFFF, v11;
	v12 =	vsel vm2, $0x0, v12;
	[tilespmem:s10+$0x1000] =	vst v9;
	v15 =	vsel vm0, $0x0, v15  }
0x5e: {  	v14 =	vsel vm1, v1, v14;
	vm1 =	vgt.f32 v12, v1;
	vm0 =	vgt.f32 v15, v1  }
0x5f: {  	v9 =	vadd.f32 v14, v9;
	v12 =	vsel vm1, v1, v12;
	[tilespmem:s10+$0x1800] =	vst v14;
	v14 =	vsel vm0, v1, v15  }
0x60: {  	v8 =	vand.u32 $0x7FFFFFFF, v8;
	v11 =	vmax.f32 v13, v11;
	v15 =	vadd.f32 v12, v14;
	[tilespmem:s10+$0x1010] =	vst v14;
	v13 =	vpop (erf)  }
0x61: {  	v8 =	vmax.f32 v10, v8;
	v9 =	vmul.f32 $5.000000000e-01, v9;
	vm1 =	vge.f32 v13, $6.999999880e-01;
	[tilespmem:s10+$0x1810] =	vst v12;
	v10 =	vpop (erf)  }
0x62: {  	v12 =	vnsel vm1, $0xBF800000, v13;
	v13 =	vmul.f32 $5.000000000e-01, v15;
	vm0 =	vge.f32 v10, $6.999999880e-01  }
0x63: {  	v8 =	vnsel vm1, $0x0, v8;
	[tilespmem:s10+$0x0] =	vst v12;
	v10 =	vnsel vm0, $0xBF800000, v10;
	(xrf0) =	vmax.scan.msk.f32 $0xffff, v12  }
.Ltmp1:
0x64: {  	v14 =	vmin.f32 v7, v9;
	v12 =	vmax.f32 v4, v9;
	[tilespmem:s10+$0x10] =	vst v10;
	(xrf0) =	vmax.scan.msk.f32 $0xffff, v10;
	(pc) =	sbr.rel @p0 .LBB2_2-.Ltmp1, $4  }
0x65: {  	v7 =	vsel vm1, v14, v7;
	v10 =	vsel vm1, $0x1, v3;
	v4 =	vsel vm1, v12, v4;
	[tilespmem:s10+$0x810] =	vst v13  }
0x66: {  	s11 =	sand.u32 $0x70, s4;
	v11 =	vnsel vm0, $0x0, v11;
	v12 =	vsel vm0, $0x1, v3;
	[tilespmem:s10+$0x800] =	vst v9;
	v9 =	vmax.f32 v4, v13  }
0x67: {  	s5 =	sadd.s32 $0x2, s5;
	v2 =	vmax.f32 v2, v8;
	v6 =	vadd.s32 v10, v6;
	v4 =	vsel vm0, v9, v4;
	v9 =	vld [tilespmem:s11+$0x2080]  }
0x68: {  	s12 =	smov.u32 s9;
	s6 =	sadd.s32 $0x20, s6;
	s4 =	sadd.s32 $0x2, s4;
	v8 =	vmin.f32 v7, v13;
	v2 =	vmax.f32 v2, v11;
	v6 =	vadd.s32 v12, v6  }
0x69: {  	v10, _, _ =	vpop (xrf0)  }
0x6a: {  	v11 =	vmov s8;
	v10 =	vbroadcast v10, $0xF;
	v12, _, _ =	vpop (xrf0)  }
0x6b: {  	vm1 =	veq.s32 v11, v0;
	v44 =	vbroadcast v12, $0xF  }
0x6c: {  	vm8 =	veq.s32 v5, v0;
	v9 =	vsel vm1, v10, v9  }
0x6d: {  	v5 =	vsel vm8, v44, v9  }
0x6e: {  	s7 =	sshra.s32 s7, $0x2;
	[tilespmem:s11+$0x2080] =	vst v5  }
0x6f: {  	v5 =	vld [tilespmem:s7+$0x0]  }
0x70: {  	v45 =	vld [tilespmem:s7+$0x10];
	_ =	sdelay $0x3  }
0x71: {  	v5 =	vsub.f32 $0.0e+00, v5  }
0x72: {  	v9 =	vsub.f32 $0.0e+00, v45  }
0x73: {  	v5 =	vmul.f32 $1.442695020e+00, v5  }
0x74: {  	v9 =	vmul.f32 $1.442695020e+00, v9  }
0x75: {  	(erf) = vpow2.f32 v5  }
0x76: {  	(erf) = vpow2.f32 v9;
	_ =	sdelay $0x7  }
0x77: {  	v5 =	vpop (erf)  }
0x78: {  	v5 =	vadd.f32 $1.000000000e+00, v5;
	v9 =	vpop (erf)  }
0x79: {  	v9 =	vadd.f32 $1.000000000e+00, v9  }
0x7a: {  	(erf) = vrcp.f32 v5  }
0x7b: {  	(erf) = vrcp.f32 v9;
	_ =	sdelay $0x7  }
0x7c: {  	v5 =	vpop (erf)  }
0x7d: {  	vm9 =	vge.f32 v5, $6.999999880e-01;
	v9 =	vpop (erf)  }
0x7e: {  	v5 =	vnsel vm9, $0xBF800000, v5;
	vm2 =	vge.f32 v9, $6.999999880e-01;
	v46 =	vsel vm9, $0x1, v3  }
0x7f: {  	v9 =	vnsel vm2, $0xBF800000, v9;
	(xrf0) =	vmax.scan.msk.f32 $0xffff, v5;
	v3 =	vsel vm2, $0x1, v3;
	v6 =	vadd.s32 v46, v6  }
0x80: {  	(xrf0) =	vmax.scan.msk.f32 $0xffff, v9;
	v3 =	vadd.s32 v3, v6  }
0x81: {  	(xrf0) =	vadd.scan.msk.s32 $0xffff, v3  }
0x82: {  	s28 =	sadd.s32 $0xFFFFFFF0, s6  }
0x83: {  	v48 =	vor.u32 s28, v0;
	v47 =	vld [tilespmem:s7+$0x1800]  }
0x84: {  	v10 =	vcvt.s32.f32 v48;
	v49 =	vld [tilespmem:s7+$0x1000]  }
0x85: {  	v3, _, _ =	vpop (xrf0)  }
0x86: {  	v10 =	vadd.f32 $5.000000000e-01, v10;
	v50, _, _ =	vpop (xrf0)  }
0x87: {  	v15 =	vor.u32 s6, v0;
	v14 =	vld [tilespmem:s7+$0x1810];
	v13, _, _ =	vpop (xrf0)  }
0x88: {  	v15 =	vcvt.s32.f32 v15;
	v51 =	vld [tilespmem:s7+$0x1010];
	v10 =	vmul.f32 $1.600000000e+01, v10;
	(v2sf) =	vpush v13, $0xF  }
0x89: {  	v11 =	vmul.f32 $1.600000000e+01, v49;
	v6 =	vmul.f32 $1.600000000e+01, v47  }
0x8a: {  	v15 =	vadd.f32 $5.000000000e-01, v15  }
0x8b: {  	v16 =	vadd.f32 v6, v10;
	v10 =	vadd.f32 v11, v10  }
0x8c: {  	v15 =	vmul.f32 $1.600000000e+01, v15;
	v14 =	vmul.f32 $1.600000000e+01, v14  }
0x8d: {  	vm3 =	vlt.f32 v16, $0.0e+00;
	vm4 =	vlt.f32 v10, $0.0e+00;
	v13 =	vmul.f32 $1.600000000e+01, v51  }
0x8e: {  	v16 =	vsel vm3, $0x0, v16;
	v10 =	vsel vm4, $0x0, v10  }
0x8f: {  	vm10 =	vgt.f32 v10, v1;
	v17 =	vadd.f32 v13, v15;
	v15 =	vadd.f32 v14, v15  }
0x90: {  	vm11 =	vgt.f32 v16, v1;
	v10 =	vsel vm10, v1, v10  }
0x91: {  	v16 =	vsel vm11, v1, v16;
	vm12 =	vlt.f32 v17, $0.0e+00;
	vm5 =	vlt.f32 v15, $0.0e+00  }
0x92: {  	[tilespmem:s7+$0x1000] =	vst v10;
	v10 =	vadd.f32 v16, v10;
	v17 =	vsel vm12, $0x0, v17;
	v15 =	vsel vm5, $0x0, v15  }
0x93: {  	[tilespmem:s7+$0x0] =	vst v5;
	vm3 =	vgt.f32 v17, v1;
	vm13 =	vgt.f32 v15, v1  }
0x94: {  	[tilespmem:s7+$0x10] =	vst v9;
	v10 =	vmul.f32 $5.000000000e-01, v10;
	v17 =	vsel vm3, v1, v17;
	v1 =	vsel vm13, v1, v15  }
0x95: {  	[tilespmem:s7+$0x1800] =	vst v16;
	v15 =	vadd.f32 v1, v17  }
0x96: {  	[tilespmem:s7+$0x800] =	vst v10  }
0x97: {  	[tilespmem:s7+$0x1010] =	vst v17;
	v52 =	vmul.f32 $5.000000000e-01, v15;
	s29 =	spop (v2sf)  }
0x98: {  	s9 =	sand.u32 $0xFFFFFFF0, s4;
	s31 =	sand.u32 $0xE, s4;
	v53 =	vmax.f32 v4, v10;
	[tilespmem:s7+$0x1810] =	vst v1;
	v1 =	vsel vm0, v8, v7;
	s8 =	sadd.s32 $0xFFFFFFFF, s29  }
0x99: {  	s30 =	sand.u32 $0x70, s4;
	s5 =	ssub.s32 s5, s9;
	v62 =	vmov s31;
	v4 =	vsel vm9, v53, v4;
	v8 =	vmin.f32 v1, v10;
	[tilespmem:s7+$0x810] =	vst v52;
	p0 =	sgt.s32 s8, $0x1  }
0x9a: {  	v56 =	vmov s5;
	v1 =	vsel vm9, v8, v1;
	v5 =	vmax.f32 v4, v52;
	v9 =	vld [tilespmem:s30+$0x2080];
	s8 =	simm.s32 @!p0 $0x1  }
0x9b: {  	v54 =	vmin.f32 v1, v52;
	v4 =	vsel vm2, v5, v4;
	v55 =	vmov s8  }
0x9c: {  	vm14 =	veq.s32 v62, v0;
	v1 =	vsel vm2, v54, v1;
	(xrf0) =	vmax.scan.msk.f32 $0xffff, v4;
	v57 =	vcvt.s32.f32 v55  }
0x9d: {  	v58 =	vand.u32 $0x7FFFFFFF, v11;
	v3 =	vbroadcast v3, $0xF;
	(xrf0) =	vmin.scan.msk.f32 $0xffff, v1;
	v1 =	vand.u32 $0x7FFFFFFF, v6  }
0x9e: {  	v60 =	vand.u32 $0x7FFFFFFF, v14;
	v1 =	vmax.f32 v58, v1;
	v4 =	vbroadcast v57, $0x0  }
0x9f: {  	v63 =	vbroadcast v50, $0xF;
	v1 =	vnsel vm9, $0x0, v1;
	v3 =	vsel vm14, v3, v9  }
0xa0: {  	v59 =	vand.u32 $0x7FFFFFFF, v13;
	v1 =	vmax.f32 v2, v1;
	(erf) = vrcp.f32 v4  }
0xa1: {  	vm15 =	veq.s32 v56, v0;
	v61 =	vmax.f32 v59, v60  }
0xa2: {  	v0 =	vnsel vm2, $0x0, v61;
	v2 =	vsel vm15, v63, v3;
	v3, _, _ =	vpop (xrf0)  }
0xa3: {  	v0 =	vmax.f32 v1, v0;
	[tilespmem:s30+$0x2080] =	vst v2;
	v2 =	vimm.f32 $0.0e+00;
	v1, _, _ =	vpop (xrf0)  }
0xa4: {  	(xrf0) =	vmax.scan.msk.f32 $0xffff, v0;
	[tilespmem:$0x2100] =	vst v2;
	v1 =	vsub.f32 v3, v1  }
0xa5: {  	[tilespmem:$0x2110] =	vst v2  }
0xa6: {  	[tilespmem:$0x2120] =	vst v2;
	v0 =	vmul.f32 $5.500000120e-01, v1  }
0xa7: {  	[tilespmem:$0x2130] =	vst v2  }
0xa8: {  	[tilespmem:$0x2140] =	vst v2;
	v0 =	vbroadcast v0, $0xF  }
0xa9: {  	[tilespmem:$0x2150] =	vst v2;
	v1 =	vpop (erf)  }
0xaa: {  	[tilespmem:$0x2160] =	vst v2;
	v0 =	vmul.f32 v1, v0;
	v1, _, _ =	vpop (xrf0)  }
.Ltmp2:
0xab: {  	p6 =	sgt.s32 s29, $0x1;
	[tilespmem:$0x2170] =	vst v2;
	v1 =	vbroadcast v1, $0xF;
	(pc) =	sbr.rel .LBB2_4-.Ltmp2, $4  }
0xac: {  	[tilespmem:$0x2180] =	vst v2;
	v0 =	vpsel !p6, $0x0, v0  }
0xad: {  	[tilespmem:$0x2190] =	vst v2;
	v1 =	vadd.f32 v0, v1  }
0xae: {  	[tilespmem:$0x21A0] =	vst v2  }
0xaf: {  	s4 =	simm.s32 $0x0;
	[tilespmem:$0x21B0] =	vst v2;
	v2 =	vlaneseq.u32;
	v1 =	vadd.f32 $8.500000000e+00, v1  }
.LBB2_7:
0xb0: {  	s4 =	sadd.s32 $0x1, s4  }
0xb1: {  	p0 =	sne.s32 s4, $0x32  }
.Ltmp3:
0xb2: {  	_ = 	snop;
	(pc) =	sbr.rel @!p0 .LBB2_8-.Ltmp3, $1  }
0xb3: {  	_ =	sdelay $0x3  }
.LBB2_4:
0xb4: {  	v3 =	vld [tilespmem:$0x2080];
	_ =	sdelay $0x1  }
0xb5: {  	v4 =	vld [tilespmem:$0x2090];
	_ =	sdelay $0x1  }
0xb6: {  	v5 =	vld [tilespmem:$0x20A0]  }
0xb7: {  	vm0 =	vgt.f32 v3, $-1.000000000e+00  }
0xb8: {  	v6 =	vld [tilespmem:$0x20B0];
	v3 =	vnsel vm0, $0xBF800000, v3  }
0xb9: {  	vm0 =	vgt.f32 v4, v3  }
0xba: {  	v8 =	vld [tilespmem:$0x20C0];
	v7 =	vsel vm0, v4, v3  }
0xbb: {  	vm0 =	vgt.f32 v5, v7  }
0xbc: {  	v10 =	vld [tilespmem:$0x20D0];
	v9 =	vsel vm0, v5, v7  }
0xbd: {  	vm0 =	vgt.f32 v6, v9  }
0xbe: {  	v12 =	vld [tilespmem:$0x20E0];
	v11 =	vsel vm0, v6, v9  }
0xbf: {  	vm0 =	vgt.f32 v8, v11  }
0xc0: {  	v14 =	vld [tilespmem:$0x20F0];
	v13 =	vsel vm0, v8, v11  }
0xc1: {  	vm0 =	vgt.f32 v10, v13  }
0xc2: {  	v15 =	vsel vm0, v10, v13  }
0xc3: {  	vm0 =	vgt.f32 v12, v15  }
0xc4: {  	v16 =	vsel vm0, v12, v15  }
0xc5: {  	vm0 =	vgt.f32 v14, v16  }
0xc6: {  	v17 =	vsel vm0, v14, v16  }
0xc7: {  	v18 =	vxor.u32 $0x80000000, v17  }
0xc8: {  	(xrf0) =	vmax.scan.msk.u32 $0xffff, v18;
	_ =	sdelay $0x5  }
0xc9: {  	v18, _, _ =	vpop (xrf0)  }
0xca: {  	(v2sf) =	vpush v18, $0xF;
	_ =	sdelay $0xe  }
0xcb: {  	s5 =	spop (v2sf)  }
0xcc: {  	p0 =	sgt.s32 s5, $0xFFFFFFFF  }
0xcd: {  	vm0 =	vgt.f32 @!p0 v12, v15;
	vm1 =	vgt.f32 @!p0 v10, v13;
	v10 =	vlaneseq.u32 @!p0  }
0xce: {  	vm2 =	vgt.f32 @!p0 v4, v3;
	v3 =	vor.u32 @!p0 $0x80000000, v10;
	v4 =	vor.u32 @!p0 $0x80000010, v10  }
0xcf: {  	vm3 =	vgt.f32 @!p0 v5, v7;
	v3 =	vsel @!p0 vm2, v4, v3;
	v4 =	vor.u32 @!p0 $0x80000020, v10  }
0xd0: {  	vm2 =	vgt.f32 @!p0 v6, v9;
	v3 =	vsel @!p0 vm3, v4, v3;
	v4 =	vor.u32 @!p0 $0x80000030, v10  }
0xd1: {  	s5 =	sand.u32 @!p0 $0x7FFFFFFF, s5;
	vm3 =	vgt.f32 @!p0 v8, v11;
	v3 =	vsel @!p0 vm2, v4, v3;
	v4 =	vor.u32 @!p0 $0x80000040, v10  }
0xd2: {  	v5 =	vmov @!p0 s5;
	v3 =	vsel @!p0 vm3, v4, v3;
	v4 =	vor.u32 @!p0 $0x80000050, v10  }
0xd3: {  	v5 =	vbroadcast @!p0 v5, $0x0;
	v3 =	vsel @!p0 vm1, v4, v3;
	v4 =	vor.u32 @!p0 $0x80000060, v10  }
0xd4: {  	vm1 =	vgt.f32 @!p0 v14, v16;
	v3 =	vsel @!p0 vm0, v4, v3;
	v4 =	vor.u32 @!p0 $0x80000070, v10  }
0xd5: {  	vm0 =	veq.f32 @!p0 v17, v5;
	v3 =	vsel @!p0 vm1, v4, v3  }
0xd6: {  	v3 =	vnsel @!p0 vm0, $0x80000080, v3  }
0xd7: {  	(xrf0) =	vmin.scan.msk.u32 @!p0 $0xffff, v3;
	_ =	sdelay $0x5  }
0xd8: {  	v3, _, _ =	vpop @!p0 (xrf0)  }
0xd9: {  	(v2sf) =	vpush @!p0 v3, $0xF;
	_ =	sdelay $0xe  }
0xda: {  	s5 =	spop @!p0 (v2sf)  }
0xdb: {  	s5 =	sshll.u32 @!p0 s5, $0x4  }
0xdc: {  	v4 =	vld @!p0 [tilespmem:s5+$0x0];
	_ =	sdelay $0x2  }
0xdd: {  	v3 =	vld @!p0 [tilespmem:s5+$0x800];
	_ =	sdelay $0x1  }
0xde: {  	vm0 =	veq.f32 @!p0 v4, v5  }
0xdf: {  	v5 =	vmctz.xlane @!p0 vm0;
	_ =	sdelay $0x1  }
0xe0: {  	v3 =	vperm.xlane @!p0 v3, v5;
	_ =	sdelay $0x1  }
0xe1: {  	v6 =	vsub.f32 @!p0 v3, v1;
	_ =	sdelay $0x1  }
0xe2: {  	v7 =	vadd.f32 @!p0 v3, v1;
	(v2sf) =	vpush @!p0 v6, $0x0;
	_ =	sdelay $0x1  }
0xe3: {  	(v2sf) =	vpush @!p0 v7, $0x0;
	_ =	sdelay $0x8  }
0xe4: {  	s6 =	sshll.u32 @!p0 s4, $0x1;
	v6 =	vld @!p0 [tilespmem:s5+$0x1000]  }
0xe5: {  	v7 =	vld @!p0 [tilespmem:s5+$0x1800];
	s5 =	sand.u32 @!p0 $0x70, s6  }
0xe6: {  	v8 =	vld @!p0 [tilespmem:s5+$0x2100];
	_ =	sdelay $0x1  }
0xe7: {  	s8 =	sshllo.u32 @!p0 s4, $0x1;
	s6 =	sand.u32 @!p0 $0xE, s6;
	s7 =	spop @!p0 (v2sf)  }
0xe8: {  	v9 =	vmov @!p0 s6;
	s6 =	ssub.s32 @!p0 s8, s5;
	v6 =	vperm.xlane @!p0 v6, v5;
	s7 =	smul.f32 @!p0 $3.906250000e-03, s7  }
0xe9: {  	vm0 =	veq.s32 @!p0 v9, v10;
	v9 =	vmov @!p0 s6;
	v7 =	vperm.xlane @!p0 v7, v5;
	s6 =	spop @!p0 (v2sf)  }
0xea: {  	v6 =	vsel @!p0 vm0, v6, v8;
	vm0 =	veq.s32 @!p0 v9, v10;
	s6 =	smul.f32 @!p0 $3.906250000e-03, s6;
	s7 =	sadd.f32 @!p0 $-5.000000000e-01, s7  }
0xeb: {  	v6 =	vsel @!p0 vm0, v7, v6  }
0xec: {  	[tilespmem:s5+$0x2100] =	vst @!p0 v6;
	s5 =	scvt.f32.s32 @!p0 s6;
	s7 =	scvt.f32.s32 @!p0 s7  }
0xed: {  	_ = 	snop  }
0xee: {  	p2 =	slt.s32 @!p0 s5, $0x7F;
	p1 =	sgt.s32 @!p0 s7, $0x0  }
0xef: {  	p2 =	por !p2, p0;
	p1 =	por !p1, p0  }
0xf0: {  	s8 =	sand.u32 @!p0 $0x30, s4;
	s5 =	simm.s32 @p2 $0x7F;
	s7 =	simm.s32 @p1 $0x0  }
0xf1: {  	v6 =	vld @!p0 [tilespmem:s8+$0x2180];
	p1 =	sgt.s32 @!p0 s7, s5  }
0xf2: {  	p1 =	por p0, p1  }
.Ltmp4:
0xf3: {  	s6 =	sand.u32 @!p0 $0xF, s4;
	(pc) =	sbr.rel @p1 .LBB2_7-.Ltmp4, $4  }
0xf4: {  	v4 =	vperm.xlane @!p0 v4, v5;
	v7 =	vmov @!p0 s6  }
0xf5: {  	vm0 =	veq.s32 @!p0 v7, v10  }
0xf6: {  	v4 =	vsel @!p0 vm0, v4, v6  }
0xf7: {  	[tilespmem:s8+$0x2180] =	vst @!p0 v4  }
0xf8: {  	s6 =	sshll.u32 s7, $0x6  }
0xf9: {  	s6 =	sshra.s32 s6, $0x2  }
0xfa: {  	s8 =	sadd.s32 $0x800, s6  }
0xfb: {  	v4 =	vld [tilespmem:s8+$0x0];
	_ =	sdelay $0x3  }
0xfc: {  	v5 =	vld [tilespmem:s6+$0x0]  }
0xfd: {  	v4 =	vsub.f32 v4, v3;
	_ =	sdelay $0x1  }
0xfe: {  	v4 =	vand.u32 $0x7FFFFFFF, v4  }
0xff: {  	vm0 =	vle.f32 v4, v0  }
0x100: {  	v4 =	vsel vm0, $0xBF800000, v5  }
0x101: {  	(xrf0) =	vmax.scan.msk.f32 $0xffff, v4  }
0x102: {  	s31 =	sadd.s32 $0xFFFFFFFF, s7  }
0x103: {  	s7 =	sadd.s32 $0x1, s31  }
0x104: {  	s9 =	sand.u32 $0x7FFFFFF0, s7;
	[tilespmem:s6+$0x0] =	vst v4  }
0x105: {  	v4 =	vld [tilespmem:s9+$0x2080]  }
0x106: {  	p0 =	slt.s32 s7, s5  }
.Ltmp5:
0x107: {  	s10 =	sand.u32 $0xF, s7;
	v5, _, _ =	vpop (xrf0);
	(pc) =	sbr.rel @!p0 .LBB2_7-.Ltmp5, $4  }
0x108: {  	v6 =	vmov s10;
	v5 =	vbroadcast v5, $0xF  }
0x109: {  	vm15 =	veq.s32 v6, v2  }
0x10a: {  	v4 =	vsel vm15, v5, v4  }
0x10b: {  	s8 =	sadd.s32 $0x10, s8;
	[tilespmem:s9+$0x2080] =	vst v4  }
.LBB2_6:
0x10c: {  	v4 =	vld [tilespmem:s8+$0x0];
	_ =	sdelay $0x2  }
0x10d: {  	s6 =	sadd.s32 $0x10, s6  }
0x10e: {  	v5 =	vld [tilespmem:s6+$0x0]  }
0x10f: {  	v4 =	vsub.f32 v4, v3;
	_ =	sdelay $0x1  }
0x110: {  	v4 =	vand.u32 $0x7FFFFFFF, v4  }
0x111: {  	vm0 =	vle.f32 v4, v0  }
0x112: {  	v4 =	vsel vm0, $0xBF800000, v5  }
0x113: {  	[tilespmem:s6+$0x0] =	vst v4;
	(xrf0) =	vmax.scan.msk.f32 $0xffff, v4;
	_ =	sdelay $0x1  }
0x114: {  	s7 =	sadd.s32 $0x1, s7  }
0x115: {  	s9 =	sand.u32 $0x7FFFFFF0, s7;
	p0 =	slt.s32 s7, s5  }
0x116: {  	v4 =	vld [tilespmem:s9+$0x2080];
	_ =	sdelay $0x1  }
.Ltmp6:
0x117: {  	s10 =	sand.u32 $0xF, s7;
	v5, _, _ =	vpop (xrf0);
	(pc) =	sbr.rel @p0 .LBB2_6-.Ltmp6, $4  }
0x118: {  	v6 =	vmov s10;
	v5 =	vbroadcast v5, $0xF  }
0x119: {  	vm0 =	veq.s32 v6, v2  }
0x11a: {  	v4 =	vsel vm0, v5, v4  }
0x11b: {  	s8 =	sadd.s32 $0x10, s8;
	[tilespmem:s9+$0x2080] =	vst v4  }
.Ltmp7:
0x11c: {  	_ = 	snop;
	(pc) =	sbr.rel .LBB2_7-.Ltmp7, $1  }
0x11d: {  	_ =	sdelay $0x3  }
.LBB2_8:
0x11e: {  	s4 =	simm.s32 $0x0;
	s5 =	simm.s32 $0x2100  }
0x11f: {  	[hbm4b:s3+s4] =	stream.linear.scatter [tilespmem:s5], [sflag:$0x1], $0x80, $0x38;
	[tilespmem:$0x2200] =	vst v63  }
0x120: {  	s30 =	simm.s32 $0x2180;
	s31 =	simm.s32 $0x1  }
0x121: {  	[hbm4b:s2+s4] =	stream.linear.scatter [tilespmem:s30], [sflag:$0x1], $0x80, $0x38;
	[tilespmem:$0x2200] =	vst v63  }
0x122: {  	_ =	swait.ge [sflag:s31], $0x80  }
0x123: {  	[sflag:s31] =	ssyncset.done $0x0  }
0x124: {  	[sflag:s31] =	ssyncadd.s32 $0xFFFFFF80  }
0x125: {  	_ =	swait.ge [sflag:s31], $0x80  }
0x126: {  	[sflag:s31] =	ssyncset.done $0x0  }
0x127: {  	[sflag:s31] =	ssyncadd.s32 $0xFFFFFF80  }
.LBB2_9:
0x128: {  	_ =	sfence.sel $0x180000  }
0x129: {  	[bflag:$0x0] =	sbarrier.arrive $0xFFFF  }
0x12a: {  	p0 =	sne.s32 s1, $0x0;
	_ =	strace $0x90000047  }
0x12b: {  	s0 =	sadd.s32 @!p0 $0x100000, s0;
	[bflag:$0x2] =	sbarrier.arrive $0xFFFF  }
0x12c: {  	[sflag:s0] =	ssyncadd.tile.s32 @!p0 $0x1;
	_ =	shalt  }
.Lfunc_end2:
_tile_overlayer_lowered:
.L_overlay_start_2:
0x12d: {  	(tag) =	ssettag $0x2  }
0x12e: {  	s0 =	rddreg [dreg:$0x0];
	s2 =	stileid.u32  }
0x12f: {  	s1 =	rddreg [dreg:$0x1];
	p0 =	sne.s32 s2, $0x0  }
0x130: {  	s3 =	rddreg [dreg:$0x2];
	[bflag:$0x3] =	sbarrier.arrive $0xFFFF;
	s2 =	simm.s32 @!p0 $0x1C02  }
0x131: {  	[timem:s3], [sflag:s2] =	dma.local @!p0 [hbm:s0], s1  }
0x132: {  	s0 =	simm.s32 @!p0 $0x2  }
0x133: {  	_ =	swait.ge @!p0 [sflag:s0], s1  }
0x134: {  	s1 =	ssub.s32 @!p0 $0x0, s1;
	[sflag:s0] =	ssyncset.done @!p0 $0x0  }
0x135: {  	[sflag:s0] =	ssyncadd.s32 @!p0 s1  }
0x136: {  	[bflag:$0x3] =	sbarrier.arrive $0xFFFF  }
0x137: {  	_ =	shalt  }

</sc_bundles>
